<compile_context>
chip_gen: v7x
topology: tpu7x:2x2x1
jax: 0.10.2.dev20260603
libtpu: 0.0.44.dev20260713+nightly
codegen_flags: <defaults>
</compile_context>

<pallas_src>
import functools

import jax
import jax.numpy as jnp
from jax import lax
from jax.experimental import pallas as pl
from jax.experimental.pallas import tpu as pltpu
from jax.experimental.pallas import tpu_sc as plsc

_DIM = 4096
_B = 4096
_XROWS = 2
_XCOLS = 2048
_NC = 2
_NS = 16
_NW = _NC * _NS
_BPW = _B // _NW
_WPX = _XCOLS // _BPW
_CH = 8
_NCHUNK = _BPW // _CH
_NBUF = 3
_PRIME = 2

_mesh = plsc.VectorSubcoreMesh(core_axis_name="c", subcore_axis_name="s")


@functools.partial(
    pl.kernel,
    mesh=_mesh,
    out_type=jax.ShapeDtypeStruct((_B, _DIM), jnp.float32),
    scratch_types=[
        pltpu.VMEM((_BPW,), jnp.int32),
        pltpu.VMEM((_NBUF, _CH, _DIM), jnp.float32),
    ] + [pltpu.SemaphoreType.DMA] * (2 * _NBUF),
)
def _emb_lookup(x_hbm, table_hbm, out_hbm, idx_v, rows_v, *sems):
    gsems = sems[:_NBUF]
    wsems = sems[_NBUF:]
    wid = lax.axis_index("s") * _NC + lax.axis_index("c")
    base = wid * _BPW
    pltpu.sync_copy(
        x_hbm.at[wid // _WPX, pl.ds((wid % _WPX) * _BPW, _BPW)], idx_v)

    def start_gather(g):
        return pltpu.async_copy(
            table_hbm.at[idx_v.at[pl.ds(g * _CH, _CH)]],
            rows_v.at[g % _NBUF], gsems[g % _NBUF])

    gathers = {}
    for g in range(_NCHUNK):
        if g - _NBUF >= 0:
            gathers[g - _NBUF].wait()
        gathers[g] = start_gather(g)
    writes = {}
    for g in range(max(0, _NCHUNK - _NBUF), _NCHUNK):
        gathers[g].wait()
        writes[g] = pltpu.async_copy(
            rows_v.at[g % _NBUF], out_hbm.at[pl.ds(base + g * _CH, _CH)],
            wsems[g % _NBUF])
    for g in range(max(0, _NCHUNK - _NBUF), _NCHUNK):
        writes[g].wait()


def kernel(x, table):
    if x.dtype != jnp.int32:
        x = x.astype(jnp.int32)
    out = _emb_lookup(x, table)
    return out.reshape(x.shape + (table.shape[1],))

# --- scband reference (transcript-rebuilt; emitter-appended) ---
"""Pipeline reference for scband-emb-62268435858171 (READ-ONLY COPY).

The authoritative reference and input builder live on the scoring server;
editing this copy changes nothing except your own understanding.
"""

import jax, jax.numpy as jnp
import numpy as np

VOCAB = 32000
DIM = 4096

def setup_inputs(seed: int = 0) -> dict:
    key = jax.random.key(seed)
    k1, k2 = jax.random.split(key)
    x = jax.random.randint(k1, (2, 2048), 0, VOCAB, dtype=jnp.int64 if jax.config.jax_enable_x64 else jnp.int32)
    table = jax.random.normal(k2, (VOCAB, DIM), dtype=jnp.float32)
    return {"x": x, "table": table}

def reference(x, table):
    # torch.nn.Embedding forward: pure row gather; padding_idx only affects grads
    return jnp.take(table, x, axis=0)

if __name__ == "__main__":
    import jax
    _d = setup_inputs()
    print(jax.jit(kernel)(*tuple(_d.values())))

</pallas_src>

<mosaic_0001>
#map = affine_map<(d0, d1) -> (0, 0)>
module attributes {stable_mosaic.version = 14 : i64} {
  func.func @_emb_lookup(%arg0: i32, %arg1: i32, %arg2: memref<2x2048xi32, #tpu.memory_space<hbm>>, %arg3: memref<32000x4096xf32, #tpu.memory_space<hbm>>, %arg4: memref<4096x4096xf32, #tpu.memory_space<hbm>>, %arg5: memref<128xi32, #tpu.memory_space<vmem>>, %arg6: memref<3x8x4096xf32, #tpu.memory_space<vmem>>, %arg7: memref<!tpu.dma_semaphore, #tpu.memory_space<semaphore_mem>>, %arg8: memref<!tpu.dma_semaphore, #tpu.memory_space<semaphore_mem>>, %arg9: memref<!tpu.dma_semaphore, #tpu.memory_space<semaphore_mem>>, %arg10: memref<!tpu.dma_semaphore, #tpu.memory_space<semaphore_mem>>, %arg11: memref<!tpu.dma_semaphore, #tpu.memory_space<semaphore_mem>>, %arg12: memref<!tpu.dma_semaphore, #tpu.memory_space<semaphore_mem>>) attributes {dimension_semantics = [#tpu.dimension_semantics<core_parallel>, #tpu.dimension_semantics<subcore_parallel>], iteration_bounds = array<i64: 2, 16>, scalar_prefetch = 0 : i64, scratch_operands = 8 : i64, tpu.core_type = #tpu.core_type<sc_vector_subcore>, window_params = [{transform_indices = #map}, {transform_indices = #map}, {transform_indices = #map}]} {
    %mul3A = arith.constant 2 : i32
    %mul3A_0 = arith.muli %arg1, %mul3A : i32
    %add3A = arith.addi %mul3A_0, %arg0 : i32
    %mul3A_1 = arith.constant 128 : i32
    %mul3A_2 = arith.muli %add3A, %mul3A_1 : i32
    %jit3A = arith.constant 16 : i32
    %div3A = arith.divsi %add3A, %jit3A : i32
    %sign3A = arith.constant 0 : i32
    %sign3A_3 = arith.cmpi sgt, %add3A, %sign3A : i32
    %sign3A_4 = arith.extui %sign3A_3 : i1 to i32
    %sign3A_5 = arith.constant 0 : i32
    %sign3A_6 = arith.cmpi slt, %add3A, %sign3A_5 : i32
    %sign3A_7 = arith.extui %sign3A_6 : i1 to i32
    %sign3A_8 = arith.subi %sign3A_4, %sign3A_7 : i32
    %sign3A_9 = arith.constant 0 : i32
    %sign3A_10 = arith.cmpi sgt, %jit3A, %sign3A_9 : i32
    %sign3A_11 = arith.extui %sign3A_10 : i1 to i32
    %sign3A_12 = arith.constant 0 : i32
    %sign3A_13 = arith.cmpi slt, %jit3A, %sign3A_12 : i32
    %sign3A_14 = arith.extui %sign3A_13 : i1 to i32
    %sign3A_15 = arith.subi %sign3A_11, %sign3A_14 : i32
    %ne3A = arith.cmpi ne, %sign3A_8, %sign3A_15 : i32
    %rem3A = arith.remsi %add3A, %jit3A : i32
    %ne3A_16 = arith.constant 0 : i32
    %ne3A_17 = arith.cmpi ne, %rem3A, %ne3A_16 : i32
    %and3A = arith.andi %ne3A, %ne3A_17 : i1
    %sub3A = arith.constant 1 : i32
    %sub3A_18 = arith.subi %div3A, %sub3A : i32
    %select_n3A = arith.select %and3A, %sub3A_18, %div3A : i32
    %jit3A_19 = arith.constant 16 : i32
    %eq3A = arith.constant 0 : i32
    %eq3A_20 = arith.cmpi eq, %jit3A_19, %eq3A : i32
    %jit3A_21 = arith.constant 1 : i32
    %select_n3A_22 = arith.select %eq3A_20, %jit3A_21, %jit3A_19 : i32
    %rem3A_23 = arith.remsi %add3A, %select_n3A_22 : i32
    %ne3A_24 = arith.constant 0 : i32
    %ne3A_25 = arith.cmpi ne, %rem3A_23, %ne3A_24 : i32
    %lt3A = arith.constant 0 : i32
    %lt3A_26 = arith.cmpi slt, %rem3A_23, %lt3A : i32
    %lt3A_27 = arith.constant 0 : i32
    %lt3A_28 = arith.cmpi slt, %select_n3A_22, %lt3A_27 : i32
    %ne3A_29 = arith.xori %lt3A_26, %lt3A_28 : i1
    %and3A_30 = arith.andi %ne3A_29, %ne3A_25 : i1
    %add3A_31 = arith.addi %rem3A_23, %select_n3A_22 : i32
    %select_n3A_32 = arith.select %and3A_30, %add3A_31, %rem3A_23 : i32
    %mul3A_33 = arith.constant 128 : i32
    %mul3A_34 = arith.muli %select_n3A_32, %mul3A_33 : i32
    "tpu.region"() ({
      %run_scoped3A = tpu.sem_alloc : memref<!tpu.dma_semaphore, #tpu.memory_space<semaphore_mem>>
      %dma_start3A_437 = tpu.memref_slice %arg2[%select_n3A, %mul3A_34] : memref<2x2048xi32, #tpu.memory_space<hbm>> -> memref<1x128xi32, #tpu.memory_space<hbm>>
      %dma_start3A_438 = tpu.memref_squeeze %dma_start3A_437 : memref<1x128xi32, #tpu.memory_space<hbm>> -> memref<128xi32, #tpu.memory_space<hbm>>
      %dma_start3A_439 = tpu.memref_slice %arg2[%select_n3A, %mul3A_34] : memref<2x2048xi32, #tpu.memory_space<hbm>> -> memref<1x128xi32, #tpu.memory_space<hbm>>
      %dma_start3A_440 = tpu.memref_squeeze %dma_start3A_439 : memref<1x128xi32, #tpu.memory_space<hbm>> -> memref<128xi32, #tpu.memory_space<hbm>>
      tpu.enqueue_dma source(%dma_start3A_440 : memref<128xi32, #tpu.memory_space<hbm>>) target(%arg5 : memref<128xi32, #tpu.memory_space<vmem>>) target_semaphore(%run_scoped3A : memref<!tpu.dma_semaphore, #tpu.memory_space<semaphore_mem>>)
      %dma_wait3A_441 = tpu.memref_slice %arg2[%select_n3A, %mul3A_34] : memref<2x2048xi32, #tpu.memory_space<hbm>> -> memref<1x128xi32, #tpu.memory_space<hbm>>
      %dma_wait3A_442 = tpu.memref_squeeze %dma_wait3A_441 : memref<1x128xi32, #tpu.memory_space<hbm>> -> memref<128xi32, #tpu.memory_space<hbm>>
      %dma_wait3A_443 = tpu.memref_slice %arg2[%select_n3A, %mul3A_34] : memref<2x2048xi32, #tpu.memory_space<hbm>> -> memref<1x128xi32, #tpu.memory_space<hbm>>
      %dma_wait3A_444 = tpu.memref_squeeze %dma_wait3A_443 : memref<1x128xi32, #tpu.memory_space<hbm>> -> memref<128xi32, #tpu.memory_space<hbm>>
      tpu.wait_dma2 semaphore(%run_scoped3A : memref<!tpu.dma_semaphore, #tpu.memory_space<semaphore_mem>>) src(%dma_wait3A_444 : memref<128xi32, #tpu.memory_space<hbm>>) dst(%arg5 : memref<128xi32, #tpu.memory_space<vmem>>)
      tpu.yield
    }) : () -> ()
    %dma_start3A = arith.constant 0 : i32
    %dma_start3A_35 = arith.constant 0 : i32
    %dma_start3A_36 = arith.constant 0 : i32
    %dma_start3A_37 = tpu.memref_slice %arg6[%dma_start3A, %dma_start3A_35, %dma_start3A_36] : memref<3x8x4096xf32, #tpu.memory_space<vmem>> -> memref<1x8x4096xf32, #tpu.memory_space<vmem>>
    %dma_start3A_38 = tpu.memref_squeeze %dma_start3A_37 : memref<1x8x4096xf32, #tpu.memory_space<vmem>> -> memref<8x4096xf32, #tpu.memory_space<vmem>>
    %dma_start3A_39 = arith.constant 0 : i32
    %dma_start3A_40 = tpu.memref_slice %arg5[%dma_start3A_39] : memref<128xi32, #tpu.memory_space<vmem>> -> memref<8xi32, #tpu.memory_space<vmem>>
    %dma_start3A_41 = arith.constant 0 : i32
    %dma_start3A_42 = arith.constant 0 : i32
    %dma_start3A_43 = tpu.memref_slice %arg3[%dma_start3A_41, %dma_start3A_42] : memref<32000x4096xf32, #tpu.memory_space<hbm>> -> memref<32000x4096xf32, #tpu.memory_space<hbm>>
    tpu.enqueue_indirect_dma source(%dma_start3A_43 : memref<32000x4096xf32, #tpu.memory_space<hbm>>) target(%dma_start3A_38 : memref<8x4096xf32, #tpu.memory_space<vmem>>) offsets(%dma_start3A_40 : memref<8xi32, #tpu.memory_space<vmem>>) semaphore(%arg7 : memref<!tpu.dma_semaphore, #tpu.memory_space<semaphore_mem>>)
    %dma_start3A_44 = arith.constant 1 : i32
    %dma_start3A_45 = arith.constant 0 : i32
    %dma_start3A_46 = arith.constant 0 : i32
    %dma_start3A_47 = tpu.memref_slice %arg6[%dma_start3A_44, %dma_start3A_45, %dma_start3A_46] : memref<3x8x4096xf32, #tpu.memory_space<vmem>> -> memref<1x8x4096xf32, #tpu.memory_space<vmem>>
    %dma_start3A_48 = tpu.memref_squeeze %dma_start3A_47 : memref<1x8x4096xf32, #tpu.memory_space<vmem>> -> memref<8x4096xf32, #tpu.memory_space<vmem>>
    %dma_start3A_49 = arith.constant 8 : i32
    %dma_start3A_50 = tpu.memref_slice %arg5[%dma_start3A_49] : memref<128xi32, #tpu.memory_space<vmem>> -> memref<8xi32, #tpu.memory_space<vmem>>
    %dma_start3A_51 = arith.constant 0 : i32
    %dma_start3A_52 = arith.constant 0 : i32
    %dma_start3A_53 = tpu.memref_slice %arg3[%dma_start3A_51, %dma_start3A_52] : memref<32000x4096xf32, #tpu.memory_space<hbm>> -> memref<32000x4096xf32, #tpu.memory_space<hbm>>
    tpu.enqueue_indirect_dma source(%dma_start3A_53 : memref<32000x4096xf32, #tpu.memory_space<hbm>>) target(%dma_start3A_48 : memref<8x4096xf32, #tpu.memory_space<vmem>>) offsets(%dma_start3A_50 : memref<8xi32, #tpu.memory_space<vmem>>) semaphore(%arg8 : memref<!tpu.dma_semaphore, #tpu.memory_space<semaphore_mem>>)
    %dma_start3A_54 = arith.constant 2 : i32
    %dma_start3A_55 = arith.constant 0 : i32
    %dma_start3A_56 = arith.constant 0 : i32
    %dma_start3A_57 = tpu.memref_slice %arg6[%dma_start3A_54, %dma_start3A_55, %dma_start3A_56] : memref<3x8x4096xf32, #tpu.memory_space<vmem>> -> memref<1x8x4096xf32, #tpu.memory_space<vmem>>
    %dma_start3A_58 = tpu.memref_squeeze %dma_start3A_57 : memref<1x8x4096xf32, #tpu.memory_space<vmem>> -> memref<8x4096xf32, #tpu.memory_space<vmem>>
    %dma_start3A_59 = arith.constant 16 : i32
    %dma_start3A_60 = tpu.memref_slice %arg5[%dma_start3A_59] : memref<128xi32, #tpu.memory_space<vmem>> -> memref<8xi32, #tpu.memory_space<vmem>>
    %dma_start3A_61 = arith.constant 0 : i32
    %dma_start3A_62 = arith.constant 0 : i32
    %dma_start3A_63 = tpu.memref_slice %arg3[%dma_start3A_61, %dma_start3A_62] : memref<32000x4096xf32, #tpu.memory_space<hbm>> -> memref<32000x4096xf32, #tpu.memory_space<hbm>>
    tpu.enqueue_indirect_dma source(%dma_start3A_63 : memref<32000x4096xf32, #tpu.memory_space<hbm>>) target(%dma_start3A_58 : memref<8x4096xf32, #tpu.memory_space<vmem>>) offsets(%dma_start3A_60 : memref<8xi32, #tpu.memory_space<vmem>>) semaphore(%arg9 : memref<!tpu.dma_semaphore, #tpu.memory_space<semaphore_mem>>)
    %dma_wait3A = arith.constant 0 : i32
    %dma_wait3A_64 = arith.constant 0 : i32
    %dma_wait3A_65 = arith.constant 0 : i32
    %dma_wait3A_66 = tpu.memref_slice %arg6[%dma_wait3A, %dma_wait3A_64, %dma_wait3A_65] : memref<3x8x4096xf32, #tpu.memory_space<vmem>> -> memref<1x8x4096xf32, #tpu.memory_space<vmem>>
    %dma_wait3A_67 = tpu.memref_squeeze %dma_wait3A_66 : memref<1x8x4096xf32, #tpu.memory_space<vmem>> -> memref<8x4096xf32, #tpu.memory_space<vmem>>
    %dma_wait3A_68 = arith.constant 0 : i32
    %dma_wait3A_69 = tpu.memref_slice %arg5[%dma_wait3A_68] : memref<128xi32, #tpu.memory_space<vmem>> -> memref<8xi32, #tpu.memory_space<vmem>>
    %dma_wait3A_70 = arith.constant 0 : i32
    %dma_wait3A_71 = arith.constant 0 : i32
    %dma_wait3A_72 = tpu.memref_slice %arg3[%dma_wait3A_70, %dma_wait3A_71] : memref<32000x4096xf32, #tpu.memory_space<hbm>> -> memref<32000x4096xf32, #tpu.memory_space<hbm>>
    tpu.wait_indirect_dma semaphore(%arg7 : memref<!tpu.dma_semaphore, #tpu.memory_space<semaphore_mem>>) src(%dma_wait3A_72 : memref<32000x4096xf32, #tpu.memory_space<hbm>>) dst(%dma_wait3A_67 : memref<8x4096xf32, #tpu.memory_space<vmem>>)
    %dma_start3A_73 = arith.constant 0 : i32
    %dma_start3A_74 = arith.constant 0 : i32
    %dma_start3A_75 = arith.constant 0 : i32
    %dma_start3A_76 = tpu.memref_slice %arg6[%dma_start3A_73, %dma_start3A_74, %dma_start3A_75] : memref<3x8x4096xf32, #tpu.memory_space<vmem>> -> memref<1x8x4096xf32, #tpu.memory_space<vmem>>
    %dma_start3A_77 = tpu.memref_squeeze %dma_start3A_76 : memref<1x8x4096xf32, #tpu.memory_space<vmem>> -> memref<8x4096xf32, #tpu.memory_space<vmem>>
    %dma_start3A_78 = arith.constant 24 : i32
    %dma_start3A_79 = tpu.memref_slice %arg5[%dma_start3A_78] : memref<128xi32, #tpu.memory_space<vmem>> -> memref<8xi32, #tpu.memory_space<vmem>>
    %dma_start3A_80 = arith.constant 0 : i32
    %dma_start3A_81 = arith.constant 0 : i32
    %dma_start3A_82 = tpu.memref_slice %arg3[%dma_start3A_80, %dma_start3A_81] : memref<32000x4096xf32, #tpu.memory_space<hbm>> -> memref<32000x4096xf32, #tpu.memory_space<hbm>>
    tpu.enqueue_indirect_dma source(%dma_start3A_82 : memref<32000x4096xf32, #tpu.memory_space<hbm>>) target(%dma_start3A_77 : memref<8x4096xf32, #tpu.memory_space<vmem>>) offsets(%dma_start3A_79 : memref<8xi32, #tpu.memory_space<vmem>>) semaphore(%arg7 : memref<!tpu.dma_semaphore, #tpu.memory_space<semaphore_mem>>)
    %dma_wait3A_83 = arith.constant 1 : i32
    %dma_wait3A_84 = arith.constant 0 : i32
    %dma_wait3A_85 = arith.constant 0 : i32
    %dma_wait3A_86 = tpu.memref_slice %arg6[%dma_wait3A_83, %dma_wait3A_84, %dma_wait3A_85] : memref<3x8x4096xf32, #tpu.memory_space<vmem>> -> memref<1x8x4096xf32, #tpu.memory_space<vmem>>
    %dma_wait3A_87 = tpu.memref_squeeze %dma_wait3A_86 : memref<1x8x4096xf32, #tpu.memory_space<vmem>> -> memref<8x4096xf32, #tpu.memory_space<vmem>>
    %dma_wait3A_88 = arith.constant 8 : i32
    %dma_wait3A_89 = tpu.memref_slice %arg5[%dma_wait3A_88] : memref<128xi32, #tpu.memory_space<vmem>> -> memref<8xi32, #tpu.memory_space<vmem>>
    %dma_wait3A_90 = arith.constant 0 : i32
    %dma_wait3A_91 = arith.constant 0 : i32
    %dma_wait3A_92 = tpu.memref_slice %arg3[%dma_wait3A_90, %dma_wait3A_91] : memref<32000x4096xf32, #tpu.memory_space<hbm>> -> memref<32000x4096xf32, #tpu.memory_space<hbm>>
    tpu.wait_indirect_dma semaphore(%arg8 : memref<!tpu.dma_semaphore, #tpu.memory_space<semaphore_mem>>) src(%dma_wait3A_92 : memref<32000x4096xf32, #tpu.memory_space<hbm>>) dst(%dma_wait3A_87 : memref<8x4096xf32, #tpu.memory_space<vmem>>)
    %dma_start3A_93 = arith.constant 1 : i32
    %dma_start3A_94 = arith.constant 0 : i32
    %dma_start3A_95 = arith.constant 0 : i32
    %dma_start3A_96 = tpu.memref_slice %arg6[%dma_start3A_93, %dma_start3A_94, %dma_start3A_95] : memref<3x8x4096xf32, #tpu.memory_space<vmem>> -> memref<1x8x4096xf32, #tpu.memory_space<vmem>>
    %dma_start3A_97 = tpu.memref_squeeze %dma_start3A_96 : memref<1x8x4096xf32, #tpu.memory_space<vmem>> -> memref<8x4096xf32, #tpu.memory_space<vmem>>
    %dma_start3A_98 = arith.constant 32 : i32
    %dma_start3A_99 = tpu.memref_slice %arg5[%dma_start3A_98] : memref<128xi32, #tpu.memory_space<vmem>> -> memref<8xi32, #tpu.memory_space<vmem>>
    %dma_start3A_100 = arith.constant 0 : i32
    %dma_start3A_101 = arith.constant 0 : i32
    %dma_start3A_102 = tpu.memref_slice %arg3[%dma_start3A_100, %dma_start3A_101] : memref<32000x4096xf32, #tpu.memory_space<hbm>> -> memref<32000x4096xf32, #tpu.memory_space<hbm>>
    tpu.enqueue_indirect_dma source(%dma_start3A_102 : memref<32000x4096xf32, #tpu.memory_space<hbm>>) target(%dma_start3A_97 : memref<8x4096xf32, #tpu.memory_space<vmem>>) offsets(%dma_start3A_99 : memref<8xi32, #tpu.memory_space<vmem>>) semaphore(%arg8 : memref<!tpu.dma_semaphore, #tpu.memory_space<semaphore_mem>>)
    %dma_wait3A_103 = arith.constant 2 : i32
    %dma_wait3A_104 = arith.constant 0 : i32
    %dma_wait3A_105 = arith.constant 0 : i32
    %dma_wait3A_106 = tpu.memref_slice %arg6[%dma_wait3A_103, %dma_wait3A_104, %dma_wait3A_105] : memref<3x8x4096xf32, #tpu.memory_space<vmem>> -> memref<1x8x4096xf32, #tpu.memory_space<vmem>>
    %dma_wait3A_107 = tpu.memref_squeeze %dma_wait3A_106 : memref<1x8x4096xf32, #tpu.memory_space<vmem>> -> memref<8x4096xf32, #tpu.memory_space<vmem>>
    %dma_wait3A_108 = arith.constant 16 : i32
    %dma_wait3A_109 = tpu.memref_slice %arg5[%dma_wait3A_108] : memref<128xi32, #tpu.memory_space<vmem>> -> memref<8xi32, #tpu.memory_space<vmem>>
    %dma_wait3A_110 = arith.constant 0 : i32
    %dma_wait3A_111 = arith.constant 0 : i32
    %dma_wait3A_112 = tpu.memref_slice %arg3[%dma_wait3A_110, %dma_wait3A_111] : memref<32000x4096xf32, #tpu.memory_space<hbm>> -> memref<32000x4096xf32, #tpu.memory_space<hbm>>
    tpu.wait_indirect_dma semaphore(%arg9 : memref<!tpu.dma_semaphore, #tpu.memory_space<semaphore_mem>>) src(%dma_wait3A_112 : memref<32000x4096xf32, #tpu.memory_space<hbm>>) dst(%dma_wait3A_107 : memref<8x4096xf32, #tpu.memory_space<vmem>>)
    %dma_start3A_113 = arith.constant 2 : i32
    %dma_start3A_114 = arith.constant 0 : i32
    %dma_start3A_115 = arith.constant 0 : i32
    %dma_start3A_116 = tpu.memref_slice %arg6[%dma_start3A_113, %dma_start3A_114, %dma_start3A_115] : memref<3x8x4096xf32, #tpu.memory_space<vmem>> -> memref<1x8x4096xf32, #tpu.memory_space<vmem>>
    %dma_start3A_117 = tpu.memref_squeeze %dma_start3A_116 : memref<1x8x4096xf32, #tpu.memory_space<vmem>> -> memref<8x4096xf32, #tpu.memory_space<vmem>>
    %dma_start3A_118 = arith.constant 40 : i32
    %dma_start3A_119 = tpu.memref_slice %arg5[%dma_start3A_118] : memref<128xi32, #tpu.memory_space<vmem>> -> memref<8xi32, #tpu.memory_space<vmem>>
    %dma_start3A_120 = arith.constant 0 : i32
    %dma_start3A_121 = arith.constant 0 : i32
    %dma_start3A_122 = tpu.memref_slice %arg3[%dma_start3A_120, %dma_start3A_121] : memref<32000x4096xf32, #tpu.memory_space<hbm>> -> memref<32000x4096xf32, #tpu.memory_space<hbm>>
    tpu.enqueue_indirect_dma source(%dma_start3A_122 : memref<32000x4096xf32, #tpu.memory_space<hbm>>) target(%dma_start3A_117 : memref<8x4096xf32, #tpu.memory_space<vmem>>) offsets(%dma_start3A_119 : memref<8xi32, #tpu.memory_space<vmem>>) semaphore(%arg9 : memref<!tpu.dma_semaphore, #tpu.memory_space<semaphore_mem>>)
    %dma_wait3A_123 = arith.constant 0 : i32
    %dma_wait3A_124 = arith.constant 0 : i32
    %dma_wait3A_125 = arith.constant 0 : i32
    %dma_wait3A_126 = tpu.memref_slice %arg6[%dma_wait3A_123, %dma_wait3A_124, %dma_wait3A_125] : memref<3x8x4096xf32, #tpu.memory_space<vmem>> -> memref<1x8x4096xf32, #tpu.memory_space<vmem>>
    %dma_wait3A_127 = tpu.memref_squeeze %dma_wait3A_126 : memref<1x8x4096xf32, #tpu.memory_space<vmem>> -> memref<8x4096xf32, #tpu.memory_space<vmem>>
    %dma_wait3A_128 = arith.constant 24 : i32
    %dma_wait3A_129 = tpu.memref_slice %arg5[%dma_wait3A_128] : memref<128xi32, #tpu.memory_space<vmem>> -> memref<8xi32, #tpu.memory_space<vmem>>
    %dma_wait3A_130 = arith.constant 0 : i32
    %dma_wait3A_131 = arith.constant 0 : i32
    %dma_wait3A_132 = tpu.memref_slice %arg3[%dma_wait3A_130, %dma_wait3A_131] : memref<32000x4096xf32, #tpu.memory_space<hbm>> -> memref<32000x4096xf32, #tpu.memory_space<hbm>>
    tpu.wait_indirect_dma semaphore(%arg7 : memref<!tpu.dma_semaphore, #tpu.memory_space<semaphore_mem>>) src(%dma_wait3A_132 : memref<32000x4096xf32, #tpu.memory_space<hbm>>) dst(%dma_wait3A_127 : memref<8x4096xf32, #tpu.memory_space<vmem>>)
    %dma_start3A_133 = arith.constant 0 : i32
    %dma_start3A_134 = arith.constant 0 : i32
    %dma_start3A_135 = arith.constant 0 : i32
    %dma_start3A_136 = tpu.memref_slice %arg6[%dma_start3A_133, %dma_start3A_134, %dma_start3A_135] : memref<3x8x4096xf32, #tpu.memory_space<vmem>> -> memref<1x8x4096xf32, #tpu.memory_space<vmem>>
    %dma_start3A_137 = tpu.memref_squeeze %dma_start3A_136 : memref<1x8x4096xf32, #tpu.memory_space<vmem>> -> memref<8x4096xf32, #tpu.memory_space<vmem>>
    %dma_start3A_138 = arith.constant 48 : i32
    %dma_start3A_139 = tpu.memref_slice %arg5[%dma_start3A_138] : memref<128xi32, #tpu.memory_space<vmem>> -> memref<8xi32, #tpu.memory_space<vmem>>
    %dma_start3A_140 = arith.constant 0 : i32
    %dma_start3A_141 = arith.constant 0 : i32
    %dma_start3A_142 = tpu.memref_slice %arg3[%dma_start3A_140, %dma_start3A_141] : memref<32000x4096xf32, #tpu.memory_space<hbm>> -> memref<32000x4096xf32, #tpu.memory_space<hbm>>
    tpu.enqueue_indirect_dma source(%dma_start3A_142 : memref<32000x4096xf32, #tpu.memory_space<hbm>>) target(%dma_start3A_137 : memref<8x4096xf32, #tpu.memory_space<vmem>>) offsets(%dma_start3A_139 : memref<8xi32, #tpu.memory_space<vmem>>) semaphore(%arg7 : memref<!tpu.dma_semaphore, #tpu.memory_space<semaphore_mem>>)
    %dma_wait3A_143 = arith.constant 1 : i32
    %dma_wait3A_144 = arith.constant 0 : i32
    %dma_wait3A_145 = arith.constant 0 : i32
    %dma_wait3A_146 = tpu.memref_slice %arg6[%dma_wait3A_143, %dma_wait3A_144, %dma_wait3A_145] : memref<3x8x4096xf32, #tpu.memory_space<vmem>> -> memref<1x8x4096xf32, #tpu.memory_space<vmem>>
    %dma_wait3A_147 = tpu.memref_squeeze %dma_wait3A_146 : memref<1x8x4096xf32, #tpu.memory_space<vmem>> -> memref<8x4096xf32, #tpu.memory_space<vmem>>
    %dma_wait3A_148 = arith.constant 32 : i32
    %dma_wait3A_149 = tpu.memref_slice %arg5[%dma_wait3A_148] : memref<128xi32, #tpu.memory_space<vmem>> -> memref<8xi32, #tpu.memory_space<vmem>>
    %dma_wait3A_150 = arith.constant 0 : i32
    %dma_wait3A_151 = arith.constant 0 : i32
    %dma_wait3A_152 = tpu.memref_slice %arg3[%dma_wait3A_150, %dma_wait3A_151] : memref<32000x4096xf32, #tpu.memory_space<hbm>> -> memref<32000x4096xf32, #tpu.memory_space<hbm>>
    tpu.wait_indirect_dma semaphore(%arg8 : memref<!tpu.dma_semaphore, #tpu.memory_space<semaphore_mem>>) src(%dma_wait3A_152 : memref<32000x4096xf32, #tpu.memory_space<hbm>>) dst(%dma_wait3A_147 : memref<8x4096xf32, #tpu.memory_space<vmem>>)
    %dma_start3A_153 = arith.constant 1 : i32
    %dma_start3A_154 = arith.constant 0 : i32
    %dma_start3A_155 = arith.constant 0 : i32
    %dma_start3A_156 = tpu.memref_slice %arg6[%dma_start3A_153, %dma_start3A_154, %dma_start3A_155] : memref<3x8x4096xf32, #tpu.memory_space<vmem>> -> memref<1x8x4096xf32, #tpu.memory_space<vmem>>
    %dma_start3A_157 = tpu.memref_squeeze %dma_start3A_156 : memref<1x8x4096xf32, #tpu.memory_space<vmem>> -> memref<8x4096xf32, #tpu.memory_space<vmem>>
    %dma_start3A_158 = arith.constant 56 : i32
    %dma_start3A_159 = tpu.memref_slice %arg5[%dma_start3A_158] : memref<128xi32, #tpu.memory_space<vmem>> -> memref<8xi32, #tpu.memory_space<vmem>>
    %dma_start3A_160 = arith.constant 0 : i32
    %dma_start3A_161 = arith.constant 0 : i32
    %dma_start3A_162 = tpu.memref_slice %arg3[%dma_start3A_160, %dma_start3A_161] : memref<32000x4096xf32, #tpu.memory_space<hbm>> -> memref<32000x4096xf32, #tpu.memory_space<hbm>>
    tpu.enqueue_indirect_dma source(%dma_start3A_162 : memref<32000x4096xf32, #tpu.memory_space<hbm>>) target(%dma_start3A_157 : memref<8x4096xf32, #tpu.memory_space<vmem>>) offsets(%dma_start3A_159 : memref<8xi32, #tpu.memory_space<vmem>>) semaphore(%arg8 : memref<!tpu.dma_semaphore, #tpu.memory_space<semaphore_mem>>)
    %dma_wait3A_163 = arith.constant 2 : i32
    %dma_wait3A_164 = arith.constant 0 : i32
    %dma_wait3A_165 = arith.constant 0 : i32
    %dma_wait3A_166 = tpu.memref_slice %arg6[%dma_wait3A_163, %dma_wait3A_164, %dma_wait3A_165] : memref<3x8x4096xf32, #tpu.memory_space<vmem>> -> memref<1x8x4096xf32, #tpu.memory_space<vmem>>
    %dma_wait3A_167 = tpu.memref_squeeze %dma_wait3A_166 : memref<1x8x4096xf32, #tpu.memory_space<vmem>> -> memref<8x4096xf32, #tpu.memory_space<vmem>>
    %dma_wait3A_168 = arith.constant 40 : i32
    %dma_wait3A_169 = tpu.memref_slice %arg5[%dma_wait3A_168] : memref<128xi32, #tpu.memory_space<vmem>> -> memref<8xi32, #tpu.memory_space<vmem>>
    %dma_wait3A_170 = arith.constant 0 : i32
    %dma_wait3A_171 = arith.constant 0 : i32
    %dma_wait3A_172 = tpu.memref_slice %arg3[%dma_wait3A_170, %dma_wait3A_171] : memref<32000x4096xf32, #tpu.memory_space<hbm>> -> memref<32000x4096xf32, #tpu.memory_space<hbm>>
    tpu.wait_indirect_dma semaphore(%arg9 : memref<!tpu.dma_semaphore, #tpu.memory_space<semaphore_mem>>) src(%dma_wait3A_172 : memref<32000x4096xf32, #tpu.memory_space<hbm>>) dst(%dma_wait3A_167 : memref<8x4096xf32, #tpu.memory_space<vmem>>)
    %dma_start3A_173 = arith.constant 2 : i32
    %dma_start3A_174 = arith.constant 0 : i32
    %dma_start3A_175 = arith.constant 0 : i32
    %dma_start3A_176 = tpu.memref_slice %arg6[%dma_start3A_173, %dma_start3A_174, %dma_start3A_175] : memref<3x8x4096xf32, #tpu.memory_space<vmem>> -> memref<1x8x4096xf32, #tpu.memory_space<vmem>>
    %dma_start3A_177 = tpu.memref_squeeze %dma_start3A_176 : memref<1x8x4096xf32, #tpu.memory_space<vmem>> -> memref<8x4096xf32, #tpu.memory_space<vmem>>
    %dma_start3A_178 = arith.constant 64 : i32
    %dma_start3A_179 = tpu.memref_slice %arg5[%dma_start3A_178] : memref<128xi32, #tpu.memory_space<vmem>> -> memref<8xi32, #tpu.memory_space<vmem>>
    %dma_start3A_180 = arith.constant 0 : i32
    %dma_start3A_181 = arith.constant 0 : i32
    %dma_start3A_182 = tpu.memref_slice %arg3[%dma_start3A_180, %dma_start3A_181] : memref<32000x4096xf32, #tpu.memory_space<hbm>> -> memref<32000x4096xf32, #tpu.memory_space<hbm>>
    tpu.enqueue_indirect_dma source(%dma_start3A_182 : memref<32000x4096xf32, #tpu.memory_space<hbm>>) target(%dma_start3A_177 : memref<8x4096xf32, #tpu.memory_space<vmem>>) offsets(%dma_start3A_179 : memref<8xi32, #tpu.memory_space<vmem>>) semaphore(%arg9 : memref<!tpu.dma_semaphore, #tpu.memory_space<semaphore_mem>>)
    %dma_wait3A_183 = arith.constant 0 : i32
    %dma_wait3A_184 = arith.constant 0 : i32
    %dma_wait3A_185 = arith.constant 0 : i32
    %dma_wait3A_186 = tpu.memref_slice %arg6[%dma_wait3A_183, %dma_wait3A_184, %dma_wait3A_185] : memref<3x8x4096xf32, #tpu.memory_space<vmem>> -> memref<1x8x4096xf32, #tpu.memory_space<vmem>>
    %dma_wait3A_187 = tpu.memref_squeeze %dma_wait3A_186 : memref<1x8x4096xf32, #tpu.memory_space<vmem>> -> memref<8x4096xf32, #tpu.memory_space<vmem>>
    %dma_wait3A_188 = arith.constant 48 : i32
    %dma_wait3A_189 = tpu.memref_slice %arg5[%dma_wait3A_188] : memref<128xi32, #tpu.memory_space<vmem>> -> memref<8xi32, #tpu.memory_space<vmem>>
    %dma_wait3A_190 = arith.constant 0 : i32
    %dma_wait3A_191 = arith.constant 0 : i32
    %dma_wait3A_192 = tpu.memref_slice %arg3[%dma_wait3A_190, %dma_wait3A_191] : memref<32000x4096xf32, #tpu.memory_space<hbm>> -> memref<32000x4096xf32, #tpu.memory_space<hbm>>
    tpu.wait_indirect_dma semaphore(%arg7 : memref<!tpu.dma_semaphore, #tpu.memory_space<semaphore_mem>>) src(%dma_wait3A_192 : memref<32000x4096xf32, #tpu.memory_space<hbm>>) dst(%dma_wait3A_187 : memref<8x4096xf32, #tpu.memory_space<vmem>>)
    %dma_start3A_193 = arith.constant 0 : i32
    %dma_start3A_194 = arith.constant 0 : i32
    %dma_start3A_195 = arith.constant 0 : i32
    %dma_start3A_196 = tpu.memref_slice %arg6[%dma_start3A_193, %dma_start3A_194, %dma_start3A_195] : memref<3x8x4096xf32, #tpu.memory_space<vmem>> -> memref<1x8x4096xf32, #tpu.memory_space<vmem>>
    %dma_start3A_197 = tpu.memref_squeeze %dma_start3A_196 : memref<1x8x4096xf32, #tpu.memory_space<vmem>> -> memref<8x4096xf32, #tpu.memory_space<vmem>>
    %dma_start3A_198 = arith.constant 72 : i32
    %dma_start3A_199 = tpu.memref_slice %arg5[%dma_start3A_198] : memref<128xi32, #tpu.memory_space<vmem>> -> memref<8xi32, #tpu.memory_space<vmem>>
    %dma_start3A_200 = arith.constant 0 : i32
    %dma_start3A_201 = arith.constant 0 : i32
    %dma_start3A_202 = tpu.memref_slice %arg3[%dma_start3A_200, %dma_start3A_201] : memref<32000x4096xf32, #tpu.memory_space<hbm>> -> memref<32000x4096xf32, #tpu.memory_space<hbm>>
    tpu.enqueue_indirect_dma source(%dma_start3A_202 : memref<32000x4096xf32, #tpu.memory_space<hbm>>) target(%dma_start3A_197 : memref<8x4096xf32, #tpu.memory_space<vmem>>) offsets(%dma_start3A_199 : memref<8xi32, #tpu.memory_space<vmem>>) semaphore(%arg7 : memref<!tpu.dma_semaphore, #tpu.memory_space<semaphore_mem>>)
    %dma_wait3A_203 = arith.constant 1 : i32
    %dma_wait3A_204 = arith.constant 0 : i32
    %dma_wait3A_205 = arith.constant 0 : i32
    %dma_wait3A_206 = tpu.memref_slice %arg6[%dma_wait3A_203, %dma_wait3A_204, %dma_wait3A_205] : memref<3x8x4096xf32, #tpu.memory_space<vmem>> -> memref<1x8x4096xf32, #tpu.memory_space<vmem>>
    %dma_wait3A_207 = tpu.memref_squeeze %dma_wait3A_206 : memref<1x8x4096xf32, #tpu.memory_space<vmem>> -> memref<8x4096xf32, #tpu.memory_space<vmem>>
    %dma_wait3A_208 = arith.constant 56 : i32
    %dma_wait3A_209 = tpu.memref_slice %arg5[%dma_wait3A_208] : memref<128xi32, #tpu.memory_space<vmem>> -> memref<8xi32, #tpu.memory_space<vmem>>
    %dma_wait3A_210 = arith.constant 0 : i32
    %dma_wait3A_211 = arith.constant 0 : i32
    %dma_wait3A_212 = tpu.memref_slice %arg3[%dma_wait3A_210, %dma_wait3A_211] : memref<32000x4096xf32, #tpu.memory_space<hbm>> -> memref<32000x4096xf32, #tpu.memory_space<hbm>>
    tpu.wait_indirect_dma semaphore(%arg8 : memref<!tpu.dma_semaphore, #tpu.memory_space<semaphore_mem>>) src(%dma_wait3A_212 : memref<32000x4096xf32, #tpu.memory_space<hbm>>) dst(%dma_wait3A_207 : memref<8x4096xf32, #tpu.memory_space<vmem>>)
    %dma_start3A_213 = arith.constant 1 : i32
    %dma_start3A_214 = arith.constant 0 : i32
    %dma_start3A_215 = arith.constant 0 : i32
    %dma_start3A_216 = tpu.memref_slice %arg6[%dma_start3A_213, %dma_start3A_214, %dma_start3A_215] : memref<3x8x4096xf32, #tpu.memory_space<vmem>> -> memref<1x8x4096xf32, #tpu.memory_space<vmem>>
    %dma_start3A_217 = tpu.memref_squeeze %dma_start3A_216 : memref<1x8x4096xf32, #tpu.memory_space<vmem>> -> memref<8x4096xf32, #tpu.memory_space<vmem>>
    %dma_start3A_218 = arith.constant 80 : i32
    %dma_start3A_219 = tpu.memref_slice %arg5[%dma_start3A_218] : memref<128xi32, #tpu.memory_space<vmem>> -> memref<8xi32, #tpu.memory_space<vmem>>
    %dma_start3A_220 = arith.constant 0 : i32
    %dma_start3A_221 = arith.constant 0 : i32
    %dma_start3A_222 = tpu.memref_slice %arg3[%dma_start3A_220, %dma_start3A_221] : memref<32000x4096xf32, #tpu.memory_space<hbm>> -> memref<32000x4096xf32, #tpu.memory_space<hbm>>
    tpu.enqueue_indirect_dma source(%dma_start3A_222 : memref<32000x4096xf32, #tpu.memory_space<hbm>>) target(%dma_start3A_217 : memref<8x4096xf32, #tpu.memory_space<vmem>>) offsets(%dma_start3A_219 : memref<8xi32, #tpu.memory_space<vmem>>) semaphore(%arg8 : memref<!tpu.dma_semaphore, #tpu.memory_space<semaphore_mem>>)
    %dma_wait3A_223 = arith.constant 2 : i32
    %dma_wait3A_224 = arith.constant 0 : i32
    %dma_wait3A_225 = arith.constant 0 : i32
    %dma_wait3A_226 = tpu.memref_slice %arg6[%dma_wait3A_223, %dma_wait3A_224, %dma_wait3A_225] : memref<3x8x4096xf32, #tpu.memory_space<vmem>> -> memref<1x8x4096xf32, #tpu.memory_space<vmem>>
    %dma_wait3A_227 = tpu.memref_squeeze %dma_wait3A_226 : memref<1x8x4096xf32, #tpu.memory_space<vmem>> -> memref<8x4096xf32, #tpu.memory_space<vmem>>
    %dma_wait3A_228 = arith.constant 64 : i32
    %dma_wait3A_229 = tpu.memref_slice %arg5[%dma_wait3A_228] : memref<128xi32, #tpu.memory_space<vmem>> -> memref<8xi32, #tpu.memory_space<vmem>>
    %dma_wait3A_230 = arith.constant 0 : i32
    %dma_wait3A_231 = arith.constant 0 : i32
    %dma_wait3A_232 = tpu.memref_slice %arg3[%dma_wait3A_230, %dma_wait3A_231] : memref<32000x4096xf32, #tpu.memory_space<hbm>> -> memref<32000x4096xf32, #tpu.memory_space<hbm>>
    tpu.wait_indirect_dma semaphore(%arg9 : memref<!tpu.dma_semaphore, #tpu.memory_space<semaphore_mem>>) src(%dma_wait3A_232 : memref<32000x4096xf32, #tpu.memory_space<hbm>>) dst(%dma_wait3A_227 : memref<8x4096xf32, #tpu.memory_space<vmem>>)
    %dma_start3A_233 = arith.constant 2 : i32
    %dma_start3A_234 = arith.constant 0 : i32
    %dma_start3A_235 = arith.constant 0 : i32
    %dma_start3A_236 = tpu.memref_slice %arg6[%dma_start3A_233, %dma_start3A_234, %dma_start3A_235] : memref<3x8x4096xf32, #tpu.memory_space<vmem>> -> memref<1x8x4096xf32, #tpu.memory_space<vmem>>
    %dma_start3A_237 = tpu.memref_squeeze %dma_start3A_236 : memref<1x8x4096xf32, #tpu.memory_space<vmem>> -> memref<8x4096xf32, #tpu.memory_space<vmem>>
    %dma_start3A_238 = arith.constant 88 : i32
    %dma_start3A_239 = tpu.memref_slice %arg5[%dma_start3A_238] : memref<128xi32, #tpu.memory_space<vmem>> -> memref<8xi32, #tpu.memory_space<vmem>>
    %dma_start3A_240 = arith.constant 0 : i32
    %dma_start3A_241 = arith.constant 0 : i32
    %dma_start3A_242 = tpu.memref_slice %arg3[%dma_start3A_240, %dma_start3A_241] : memref<32000x4096xf32, #tpu.memory_space<hbm>> -> memref<32000x4096xf32, #tpu.memory_space<hbm>>
    tpu.enqueue_indirect_dma source(%dma_start3A_242 : memref<32000x4096xf32, #tpu.memory_space<hbm>>) target(%dma_start3A_237 : memref<8x4096xf32, #tpu.memory_space<vmem>>) offsets(%dma_start3A_239 : memref<8xi32, #tpu.memory_space<vmem>>) semaphore(%arg9 : memref<!tpu.dma_semaphore, #tpu.memory_space<semaphore_mem>>)
    %dma_wait3A_243 = arith.constant 0 : i32
    %dma_wait3A_244 = arith.constant 0 : i32
    %dma_wait3A_245 = arith.constant 0 : i32
    %dma_wait3A_246 = tpu.memref_slice %arg6[%dma_wait3A_243, %dma_wait3A_244, %dma_wait3A_245] : memref<3x8x4096xf32, #tpu.memory_space<vmem>> -> memref<1x8x4096xf32, #tpu.memory_space<vmem>>
    %dma_wait3A_247 = tpu.memref_squeeze %dma_wait3A_246 : memref<1x8x4096xf32, #tpu.memory_space<vmem>> -> memref<8x4096xf32, #tpu.memory_space<vmem>>
    %dma_wait3A_248 = arith.constant 72 : i32
    %dma_wait3A_249 = tpu.memref_slice %arg5[%dma_wait3A_248] : memref<128xi32, #tpu.memory_space<vmem>> -> memref<8xi32, #tpu.memory_space<vmem>>
    %dma_wait3A_250 = arith.constant 0 : i32
    %dma_wait3A_251 = arith.constant 0 : i32
    %dma_wait3A_252 = tpu.memref_slice %arg3[%dma_wait3A_250, %dma_wait3A_251] : memref<32000x4096xf32, #tpu.memory_space<hbm>> -> memref<32000x4096xf32, #tpu.memory_space<hbm>>
    tpu.wait_indirect_dma semaphore(%arg7 : memref<!tpu.dma_semaphore, #tpu.memory_space<semaphore_mem>>) src(%dma_wait3A_252 : memref<32000x4096xf32, #tpu.memory_space<hbm>>) dst(%dma_wait3A_247 : memref<8x4096xf32, #tpu.memory_space<vmem>>)
    %dma_start3A_253 = arith.constant 0 : i32
    %dma_start3A_254 = arith.constant 0 : i32
    %dma_start3A_255 = arith.constant 0 : i32
    %dma_start3A_256 = tpu.memref_slice %arg6[%dma_start3A_253, %dma_start3A_254, %dma_start3A_255] : memref<3x8x4096xf32, #tpu.memory_space<vmem>> -> memref<1x8x4096xf32, #tpu.memory_space<vmem>>
    %dma_start3A_257 = tpu.memref_squeeze %dma_start3A_256 : memref<1x8x4096xf32, #tpu.memory_space<vmem>> -> memref<8x4096xf32, #tpu.memory_space<vmem>>
    %dma_start3A_258 = arith.constant 96 : i32
    %dma_start3A_259 = tpu.memref_slice %arg5[%dma_start3A_258] : memref<128xi32, #tpu.memory_space<vmem>> -> memref<8xi32, #tpu.memory_space<vmem>>
    %dma_start3A_260 = arith.constant 0 : i32
    %dma_start3A_261 = arith.constant 0 : i32
    %dma_start3A_262 = tpu.memref_slice %arg3[%dma_start3A_260, %dma_start3A_261] : memref<32000x4096xf32, #tpu.memory_space<hbm>> -> memref<32000x4096xf32, #tpu.memory_space<hbm>>
    tpu.enqueue_indirect_dma source(%dma_start3A_262 : memref<32000x4096xf32, #tpu.memory_space<hbm>>) target(%dma_start3A_257 : memref<8x4096xf32, #tpu.memory_space<vmem>>) offsets(%dma_start3A_259 : memref<8xi32, #tpu.memory_space<vmem>>) semaphore(%arg7 : memref<!tpu.dma_semaphore, #tpu.memory_space<semaphore_mem>>)
    %dma_wait3A_263 = arith.constant 1 : i32
    %dma_wait3A_264 = arith.constant 0 : i32
    %dma_wait3A_265 = arith.constant 0 : i32
    %dma_wait3A_266 = tpu.memref_slice %arg6[%dma_wait3A_263, %dma_wait3A_264, %dma_wait3A_265] : memref<3x8x4096xf32, #tpu.memory_space<vmem>> -> memref<1x8x4096xf32, #tpu.memory_space<vmem>>
    %dma_wait3A_267 = tpu.memref_squeeze %dma_wait3A_266 : memref<1x8x4096xf32, #tpu.memory_space<vmem>> -> memref<8x4096xf32, #tpu.memory_space<vmem>>
    %dma_wait3A_268 = arith.constant 80 : i32
    %dma_wait3A_269 = tpu.memref_slice %arg5[%dma_wait3A_268] : memref<128xi32, #tpu.memory_space<vmem>> -> memref<8xi32, #tpu.memory_space<vmem>>
    %dma_wait3A_270 = arith.constant 0 : i32
    %dma_wait3A_271 = arith.constant 0 : i32
    %dma_wait3A_272 = tpu.memref_slice %arg3[%dma_wait3A_270, %dma_wait3A_271] : memref<32000x4096xf32, #tpu.memory_space<hbm>> -> memref<32000x4096xf32, #tpu.memory_space<hbm>>
    tpu.wait_indirect_dma semaphore(%arg8 : memref<!tpu.dma_semaphore, #tpu.memory_space<semaphore_mem>>) src(%dma_wait3A_272 : memref<32000x4096xf32, #tpu.memory_space<hbm>>) dst(%dma_wait3A_267 : memref<8x4096xf32, #tpu.memory_space<vmem>>)
    %dma_start3A_273 = arith.constant 1 : i32
    %dma_start3A_274 = arith.constant 0 : i32
    %dma_start3A_275 = arith.constant 0 : i32
    %dma_start3A_276 = tpu.memref_slice %arg6[%dma_start3A_273, %dma_start3A_274, %dma_start3A_275] : memref<3x8x4096xf32, #tpu.memory_space<vmem>> -> memref<1x8x4096xf32, #tpu.memory_space<vmem>>
    %dma_start3A_277 = tpu.memref_squeeze %dma_start3A_276 : memref<1x8x4096xf32, #tpu.memory_space<vmem>> -> memref<8x4096xf32, #tpu.memory_space<vmem>>
    %dma_start3A_278 = arith.constant 104 : i32
    %dma_start3A_279 = tpu.memref_slice %arg5[%dma_start3A_278] : memref<128xi32, #tpu.memory_space<vmem>> -> memref<8xi32, #tpu.memory_space<vmem>>
    %dma_start3A_280 = arith.constant 0 : i32
    %dma_start3A_281 = arith.constant 0 : i32
    %dma_start3A_282 = tpu.memref_slice %arg3[%dma_start3A_280, %dma_start3A_281] : memref<32000x4096xf32, #tpu.memory_space<hbm>> -> memref<32000x4096xf32, #tpu.memory_space<hbm>>
    tpu.enqueue_indirect_dma source(%dma_start3A_282 : memref<32000x4096xf32, #tpu.memory_space<hbm>>) target(%dma_start3A_277 : memref<8x4096xf32, #tpu.memory_space<vmem>>) offsets(%dma_start3A_279 : memref<8xi32, #tpu.memory_space<vmem>>) semaphore(%arg8 : memref<!tpu.dma_semaphore, #tpu.memory_space<semaphore_mem>>)
    %dma_wait3A_283 = arith.constant 2 : i32
    %dma_wait3A_284 = arith.constant 0 : i32
    %dma_wait3A_285 = arith.constant 0 : i32
    %dma_wait3A_286 = tpu.memref_slice %arg6[%dma_wait3A_283, %dma_wait3A_284, %dma_wait3A_285] : memref<3x8x4096xf32, #tpu.memory_space<vmem>> -> memref<1x8x4096xf32, #tpu.memory_space<vmem>>
    %dma_wait3A_287 = tpu.memref_squeeze %dma_wait3A_286 : memref<1x8x4096xf32, #tpu.memory_space<vmem>> -> memref<8x4096xf32, #tpu.memory_space<vmem>>
    %dma_wait3A_288 = arith.constant 88 : i32
    %dma_wait3A_289 = tpu.memref_slice %arg5[%dma_wait3A_288] : memref<128xi32, #tpu.memory_space<vmem>> -> memref<8xi32, #tpu.memory_space<vmem>>
    %dma_wait3A_290 = arith.constant 0 : i32
    %dma_wait3A_291 = arith.constant 0 : i32
    %dma_wait3A_292 = tpu.memref_slice %arg3[%dma_wait3A_290, %dma_wait3A_291] : memref<32000x4096xf32, #tpu.memory_space<hbm>> -> memref<32000x4096xf32, #tpu.memory_space<hbm>>
    tpu.wait_indirect_dma semaphore(%arg9 : memref<!tpu.dma_semaphore, #tpu.memory_space<semaphore_mem>>) src(%dma_wait3A_292 : memref<32000x4096xf32, #tpu.memory_space<hbm>>) dst(%dma_wait3A_287 : memref<8x4096xf32, #tpu.memory_space<vmem>>)
    %dma_start3A_293 = arith.constant 2 : i32
    %dma_start3A_294 = arith.constant 0 : i32
    %dma_start3A_295 = arith.constant 0 : i32
    %dma_start3A_296 = tpu.memref_slice %arg6[%dma_start3A_293, %dma_start3A_294, %dma_start3A_295] : memref<3x8x4096xf32, #tpu.memory_space<vmem>> -> memref<1x8x4096xf32, #tpu.memory_space<vmem>>
    %dma_start3A_297 = tpu.memref_squeeze %dma_start3A_296 : memref<1x8x4096xf32, #tpu.memory_space<vmem>> -> memref<8x4096xf32, #tpu.memory_space<vmem>>
    %dma_start3A_298 = arith.constant 112 : i32
    %dma_start3A_299 = tpu.memref_slice %arg5[%dma_start3A_298] : memref<128xi32, #tpu.memory_space<vmem>> -> memref<8xi32, #tpu.memory_space<vmem>>
    %dma_start3A_300 = arith.constant 0 : i32
    %dma_start3A_301 = arith.constant 0 : i32
    %dma_start3A_302 = tpu.memref_slice %arg3[%dma_start3A_300, %dma_start3A_301] : memref<32000x4096xf32, #tpu.memory_space<hbm>> -> memref<32000x4096xf32, #tpu.memory_space<hbm>>
    tpu.enqueue_indirect_dma source(%dma_start3A_302 : memref<32000x4096xf32, #tpu.memory_space<hbm>>) target(%dma_start3A_297 : memref<8x4096xf32, #tpu.memory_space<vmem>>) offsets(%dma_start3A_299 : memref<8xi32, #tpu.memory_space<vmem>>) semaphore(%arg9 : memref<!tpu.dma_semaphore, #tpu.memory_space<semaphore_mem>>)
    %dma_wait3A_303 = arith.constant 0 : i32
    %dma_wait3A_304 = arith.constant 0 : i32
    %dma_wait3A_305 = arith.constant 0 : i32
    %dma_wait3A_306 = tpu.memref_slice %arg6[%dma_wait3A_303, %dma_wait3A_304, %dma_wait3A_305] : memref<3x8x4096xf32, #tpu.memory_space<vmem>> -> memref<1x8x4096xf32, #tpu.memory_space<vmem>>
    %dma_wait3A_307 = tpu.memref_squeeze %dma_wait3A_306 : memref<1x8x4096xf32, #tpu.memory_space<vmem>> -> memref<8x4096xf32, #tpu.memory_space<vmem>>
    %dma_wait3A_308 = arith.constant 96 : i32
    %dma_wait3A_309 = tpu.memref_slice %arg5[%dma_wait3A_308] : memref<128xi32, #tpu.memory_space<vmem>> -> memref<8xi32, #tpu.memory_space<vmem>>
    %dma_wait3A_310 = arith.constant 0 : i32
    %dma_wait3A_311 = arith.constant 0 : i32
    %dma_wait3A_312 = tpu.memref_slice %arg3[%dma_wait3A_310, %dma_wait3A_311] : memref<32000x4096xf32, #tpu.memory_space<hbm>> -> memref<32000x4096xf32, #tpu.memory_space<hbm>>
    tpu.wait_indirect_dma semaphore(%arg7 : memref<!tpu.dma_semaphore, #tpu.memory_space<semaphore_mem>>) src(%dma_wait3A_312 : memref<32000x4096xf32, #tpu.memory_space<hbm>>) dst(%dma_wait3A_307 : memref<8x4096xf32, #tpu.memory_space<vmem>>)
    %dma_start3A_313 = arith.constant 0 : i32
    %dma_start3A_314 = arith.constant 0 : i32
    %dma_start3A_315 = arith.constant 0 : i32
    %dma_start3A_316 = tpu.memref_slice %arg6[%dma_start3A_313, %dma_start3A_314, %dma_start3A_315] : memref<3x8x4096xf32, #tpu.memory_space<vmem>> -> memref<1x8x4096xf32, #tpu.memory_space<vmem>>
    %dma_start3A_317 = tpu.memref_squeeze %dma_start3A_316 : memref<1x8x4096xf32, #tpu.memory_space<vmem>> -> memref<8x4096xf32, #tpu.memory_space<vmem>>
    %dma_start3A_318 = arith.constant 120 : i32
    %dma_start3A_319 = tpu.memref_slice %arg5[%dma_start3A_318] : memref<128xi32, #tpu.memory_space<vmem>> -> memref<8xi32, #tpu.memory_space<vmem>>
    %dma_start3A_320 = arith.constant 0 : i32
    %dma_start3A_321 = arith.constant 0 : i32
    %dma_start3A_322 = tpu.memref_slice %arg3[%dma_start3A_320, %dma_start3A_321] : memref<32000x4096xf32, #tpu.memory_space<hbm>> -> memref<32000x4096xf32, #tpu.memory_space<hbm>>
    tpu.enqueue_indirect_dma source(%dma_start3A_322 : memref<32000x4096xf32, #tpu.memory_space<hbm>>) target(%dma_start3A_317 : memref<8x4096xf32, #tpu.memory_space<vmem>>) offsets(%dma_start3A_319 : memref<8xi32, #tpu.memory_space<vmem>>) semaphore(%arg7 : memref<!tpu.dma_semaphore, #tpu.memory_space<semaphore_mem>>)
    %dma_wait3A_323 = arith.constant 1 : i32
    %dma_wait3A_324 = arith.constant 0 : i32
    %dma_wait3A_325 = arith.constant 0 : i32
    %dma_wait3A_326 = tpu.memref_slice %arg6[%dma_wait3A_323, %dma_wait3A_324, %dma_wait3A_325] : memref<3x8x4096xf32, #tpu.memory_space<vmem>> -> memref<1x8x4096xf32, #tpu.memory_space<vmem>>
    %dma_wait3A_327 = tpu.memref_squeeze %dma_wait3A_326 : memref<1x8x4096xf32, #tpu.memory_space<vmem>> -> memref<8x4096xf32, #tpu.memory_space<vmem>>
    %dma_wait3A_328 = arith.constant 104 : i32
    %dma_wait3A_329 = tpu.memref_slice %arg5[%dma_wait3A_328] : memref<128xi32, #tpu.memory_space<vmem>> -> memref<8xi32, #tpu.memory_space<vmem>>
    %dma_wait3A_330 = arith.constant 0 : i32
    %dma_wait3A_331 = arith.constant 0 : i32
    %dma_wait3A_332 = tpu.memref_slice %arg3[%dma_wait3A_330, %dma_wait3A_331] : memref<32000x4096xf32, #tpu.memory_space<hbm>> -> memref<32000x4096xf32, #tpu.memory_space<hbm>>
    tpu.wait_indirect_dma semaphore(%arg8 : memref<!tpu.dma_semaphore, #tpu.memory_space<semaphore_mem>>) src(%dma_wait3A_332 : memref<32000x4096xf32, #tpu.memory_space<hbm>>) dst(%dma_wait3A_327 : memref<8x4096xf32, #tpu.memory_space<vmem>>)
    %add3A_333 = arith.constant 104 : i32
    %add3A_334 = arith.addi %mul3A_2, %add3A_333 : i32
    %dma_start3A_335 = arith.constant 1 : i32
    %dma_start3A_336 = arith.constant 0 : i32
    %dma_start3A_337 = arith.constant 0 : i32
    %dma_start3A_338 = tpu.memref_slice %arg6[%dma_start3A_335, %dma_start3A_336, %dma_start3A_337] : memref<3x8x4096xf32, #tpu.memory_space<vmem>> -> memref<1x8x4096xf32, #tpu.memory_space<vmem>>
    %dma_start3A_339 = tpu.memref_squeeze %dma_start3A_338 : memref<1x8x4096xf32, #tpu.memory_space<vmem>> -> memref<8x4096xf32, #tpu.memory_space<vmem>>
    %dma_start3A_340 = arith.constant 0 : i32
    %dma_start3A_341 = tpu.memref_slice %arg4[%add3A_334, %dma_start3A_340] : memref<4096x4096xf32, #tpu.memory_space<hbm>> -> memref<8x4096xf32, #tpu.memory_space<hbm>>
    %dma_start3A_342 = arith.constant 0 : i32
    %dma_start3A_343 = tpu.memref_slice %arg4[%add3A_334, %dma_start3A_342] : memref<4096x4096xf32, #tpu.memory_space<hbm>> -> memref<8x4096xf32, #tpu.memory_space<hbm>>
    %dma_start3A_344 = arith.constant 0 : i32
    %dma_start3A_345 = arith.constant 0 : i32
    %dma_start3A_346 = tpu.memref_slice %arg6[%dma_start3A_335, %dma_start3A_344, %dma_start3A_345] : memref<3x8x4096xf32, #tpu.memory_space<vmem>> -> memref<1x8x4096xf32, #tpu.memory_space<vmem>>
    %dma_start3A_347 = tpu.memref_squeeze %dma_start3A_346 : memref<1x8x4096xf32, #tpu.memory_space<vmem>> -> memref<8x4096xf32, #tpu.memory_space<vmem>>
    tpu.enqueue_dma source(%dma_start3A_347 : memref<8x4096xf32, #tpu.memory_space<vmem>>) target(%dma_start3A_343 : memref<8x4096xf32, #tpu.memory_space<hbm>>) target_semaphore(%arg11 : memref<!tpu.dma_semaphore, #tpu.memory_space<semaphore_mem>>)
    %dma_wait3A_348 = arith.constant 2 : i32
    %dma_wait3A_349 = arith.constant 0 : i32
    %dma_wait3A_350 = arith.constant 0 : i32
    %dma_wait3A_351 = tpu.memref_slice %arg6[%dma_wait3A_348, %dma_wait3A_349, %dma_wait3A_350] : memref<3x8x4096xf32, #tpu.memory_space<vmem>> -> memref<1x8x4096xf32, #tpu.memory_space<vmem>>
    %dma_wait3A_352 = tpu.memref_squeeze %dma_wait3A_351 : memref<1x8x4096xf32, #tpu.memory_space<vmem>> -> memref<8x4096xf32, #tpu.memory_space<vmem>>
    %dma_wait3A_353 = arith.constant 112 : i32
    %dma_wait3A_354 = tpu.memref_slice %arg5[%dma_wait3A_353] : memref<128xi32, #tpu.memory_space<vmem>> -> memref<8xi32, #tpu.memory_space<vmem>>
    %dma_wait3A_355 = arith.constant 0 : i32
    %dma_wait3A_356 = arith.constant 0 : i32
    %dma_wait3A_357 = tpu.memref_slice %arg3[%dma_wait3A_355, %dma_wait3A_356] : memref<32000x4096xf32, #tpu.memory_space<hbm>> -> memref<32000x4096xf32, #tpu.memory_space<hbm>>
    tpu.wait_indirect_dma semaphore(%arg9 : memref<!tpu.dma_semaphore, #tpu.memory_space<semaphore_mem>>) src(%dma_wait3A_357 : memref<32000x4096xf32, #tpu.memory_space<hbm>>) dst(%dma_wait3A_352 : memref<8x4096xf32, #tpu.memory_space<vmem>>)
    %add3A_358 = arith.constant 112 : i32
    %add3A_359 = arith.addi %mul3A_2, %add3A_358 : i32
    %dma_start3A_360 = arith.constant 2 : i32
    %dma_start3A_361 = arith.constant 0 : i32
    %dma_start3A_362 = arith.constant 0 : i32
    %dma_start3A_363 = tpu.memref_slice %arg6[%dma_start3A_360, %dma_start3A_361, %dma_start3A_362] : memref<3x8x4096xf32, #tpu.memory_space<vmem>> -> memref<1x8x4096xf32, #tpu.memory_space<vmem>>
    %dma_start3A_364 = tpu.memref_squeeze %dma_start3A_363 : memref<1x8x4096xf32, #tpu.memory_space<vmem>> -> memref<8x4096xf32, #tpu.memory_space<vmem>>
    %dma_start3A_365 = arith.constant 0 : i32
    %dma_start3A_366 = tpu.memref_slice %arg4[%add3A_359, %dma_start3A_365] : memref<4096x4096xf32, #tpu.memory_space<hbm>> -> memref<8x4096xf32, #tpu.memory_space<hbm>>
    %dma_start3A_367 = arith.constant 0 : i32
    %dma_start3A_368 = tpu.memref_slice %arg4[%add3A_359, %dma_start3A_367] : memref<4096x4096xf32, #tpu.memory_space<hbm>> -> memref<8x4096xf32, #tpu.memory_space<hbm>>
    %dma_start3A_369 = arith.constant 0 : i32
    %dma_start3A_370 = arith.constant 0 : i32
    %dma_start3A_371 = tpu.memref_slice %arg6[%dma_start3A_360, %dma_start3A_369, %dma_start3A_370] : memref<3x8x4096xf32, #tpu.memory_space<vmem>> -> memref<1x8x4096xf32, #tpu.memory_space<vmem>>
    %dma_start3A_372 = tpu.memref_squeeze %dma_start3A_371 : memref<1x8x4096xf32, #tpu.memory_space<vmem>> -> memref<8x4096xf32, #tpu.memory_space<vmem>>
    tpu.enqueue_dma source(%dma_start3A_372 : memref<8x4096xf32, #tpu.memory_space<vmem>>) target(%dma_start3A_368 : memref<8x4096xf32, #tpu.memory_space<hbm>>) target_semaphore(%arg12 : memref<!tpu.dma_semaphore, #tpu.memory_space<semaphore_mem>>)
    %dma_wait3A_373 = arith.constant 0 : i32
    %dma_wait3A_374 = arith.constant 0 : i32
    %dma_wait3A_375 = arith.constant 0 : i32
    %dma_wait3A_376 = tpu.memref_slice %arg6[%dma_wait3A_373, %dma_wait3A_374, %dma_wait3A_375] : memref<3x8x4096xf32, #tpu.memory_space<vmem>> -> memref<1x8x4096xf32, #tpu.memory_space<vmem>>
    %dma_wait3A_377 = tpu.memref_squeeze %dma_wait3A_376 : memref<1x8x4096xf32, #tpu.memory_space<vmem>> -> memref<8x4096xf32, #tpu.memory_space<vmem>>
    %dma_wait3A_378 = arith.constant 120 : i32
    %dma_wait3A_379 = tpu.memref_slice %arg5[%dma_wait3A_378] : memref<128xi32, #tpu.memory_space<vmem>> -> memref<8xi32, #tpu.memory_space<vmem>>
    %dma_wait3A_380 = arith.constant 0 : i32
    %dma_wait3A_381 = arith.constant 0 : i32
    %dma_wait3A_382 = tpu.memref_slice %arg3[%dma_wait3A_380, %dma_wait3A_381] : memref<32000x4096xf32, #tpu.memory_space<hbm>> -> memref<32000x4096xf32, #tpu.memory_space<hbm>>
    tpu.wait_indirect_dma semaphore(%arg7 : memref<!tpu.dma_semaphore, #tpu.memory_space<semaphore_mem>>) src(%dma_wait3A_382 : memref<32000x4096xf32, #tpu.memory_space<hbm>>) dst(%dma_wait3A_377 : memref<8x4096xf32, #tpu.memory_space<vmem>>)
    %add3A_383 = arith.constant 120 : i32
    %add3A_384 = arith.addi %mul3A_2, %add3A_383 : i32
    %dma_start3A_385 = arith.constant 0 : i32
    %dma_start3A_386 = arith.constant 0 : i32
    %dma_start3A_387 = arith.constant 0 : i32
    %dma_start3A_388 = tpu.memref_slice %arg6[%dma_start3A_385, %dma_start3A_386, %dma_start3A_387] : memref<3x8x4096xf32, #tpu.memory_space<vmem>> -> memref<1x8x4096xf32, #tpu.memory_space<vmem>>
    %dma_start3A_389 = tpu.memref_squeeze %dma_start3A_388 : memref<1x8x4096xf32, #tpu.memory_space<vmem>> -> memref<8x4096xf32, #tpu.memory_space<vmem>>
    %dma_start3A_390 = arith.constant 0 : i32
    %dma_start3A_391 = tpu.memref_slice %arg4[%add3A_384, %dma_start3A_390] : memref<4096x4096xf32, #tpu.memory_space<hbm>> -> memref<8x4096xf32, #tpu.memory_space<hbm>>
    %dma_start3A_392 = arith.constant 0 : i32
    %dma_start3A_393 = tpu.memref_slice %arg4[%add3A_384, %dma_start3A_392] : memref<4096x4096xf32, #tpu.memory_space<hbm>> -> memref<8x4096xf32, #tpu.memory_space<hbm>>
    %dma_start3A_394 = arith.constant 0 : i32
    %dma_start3A_395 = arith.constant 0 : i32
    %dma_start3A_396 = tpu.memref_slice %arg6[%dma_start3A_385, %dma_start3A_394, %dma_start3A_395] : memref<3x8x4096xf32, #tpu.memory_space<vmem>> -> memref<1x8x4096xf32, #tpu.memory_space<vmem>>
    %dma_start3A_397 = tpu.memref_squeeze %dma_start3A_396 : memref<1x8x4096xf32, #tpu.memory_space<vmem>> -> memref<8x4096xf32, #tpu.memory_space<vmem>>
    tpu.enqueue_dma source(%dma_start3A_397 : memref<8x4096xf32, #tpu.memory_space<vmem>>) target(%dma_start3A_393 : memref<8x4096xf32, #tpu.memory_space<hbm>>) target_semaphore(%arg10 : memref<!tpu.dma_semaphore, #tpu.memory_space<semaphore_mem>>)
    %dma_wait3A_398 = arith.constant 1 : i32
    %dma_wait3A_399 = arith.constant 0 : i32
    %dma_wait3A_400 = arith.constant 0 : i32
    %dma_wait3A_401 = tpu.memref_slice %arg6[%dma_wait3A_398, %dma_wait3A_399, %dma_wait3A_400] : memref<3x8x4096xf32, #tpu.memory_space<vmem>> -> memref<1x8x4096xf32, #tpu.memory_space<vmem>>
    %dma_wait3A_402 = tpu.memref_squeeze %dma_wait3A_401 : memref<1x8x4096xf32, #tpu.memory_space<vmem>> -> memref<8x4096xf32, #tpu.memory_space<vmem>>
    %dma_wait3A_403 = arith.constant 0 : i32
    %dma_wait3A_404 = tpu.memref_slice %arg4[%add3A_334, %dma_wait3A_403] : memref<4096x4096xf32, #tpu.memory_space<hbm>> -> memref<8x4096xf32, #tpu.memory_space<hbm>>
    %dma_wait3A_405 = arith.constant 0 : i32
    %dma_wait3A_406 = tpu.memref_slice %arg4[%add3A_334, %dma_wait3A_405] : memref<4096x4096xf32, #tpu.memory_space<hbm>> -> memref<8x4096xf32, #tpu.memory_space<hbm>>
    %dma_wait3A_407 = arith.constant 0 : i32
    %dma_wait3A_408 = arith.constant 0 : i32
    %dma_wait3A_409 = tpu.memref_slice %arg6[%dma_wait3A_398, %dma_wait3A_407, %dma_wait3A_408] : memref<3x8x4096xf32, #tpu.memory_space<vmem>> -> memref<1x8x4096xf32, #tpu.memory_space<vmem>>
    %dma_wait3A_410 = tpu.memref_squeeze %dma_wait3A_409 : memref<1x8x4096xf32, #tpu.memory_space<vmem>> -> memref<8x4096xf32, #tpu.memory_space<vmem>>
    tpu.wait_dma2 semaphore(%arg11 : memref<!tpu.dma_semaphore, #tpu.memory_space<semaphore_mem>>) src(%dma_wait3A_410 : memref<8x4096xf32, #tpu.memory_space<vmem>>) dst(%dma_wait3A_406 : memref<8x4096xf32, #tpu.memory_space<hbm>>)
    %dma_wait3A_411 = arith.constant 2 : i32
    %dma_wait3A_412 = arith.constant 0 : i32
    %dma_wait3A_413 = arith.constant 0 : i32
    %dma_wait3A_414 = tpu.memref_slice %arg6[%dma_wait3A_411, %dma_wait3A_412, %dma_wait3A_413] : memref<3x8x4096xf32, #tpu.memory_space<vmem>> -> memref<1x8x4096xf32, #tpu.memory_space<vmem>>
    %dma_wait3A_415 = tpu.memref_squeeze %dma_wait3A_414 : memref<1x8x4096xf32, #tpu.memory_space<vmem>> -> memref<8x4096xf32, #tpu.memory_space<vmem>>
    %dma_wait3A_416 = arith.constant 0 : i32
    %dma_wait3A_417 = tpu.memref_slice %arg4[%add3A_359, %dma_wait3A_416] : memref<4096x4096xf32, #tpu.memory_space<hbm>> -> memref<8x4096xf32, #tpu.memory_space<hbm>>
    %dma_wait3A_418 = arith.constant 0 : i32
    %dma_wait3A_419 = tpu.memref_slice %arg4[%add3A_359, %dma_wait3A_418] : memref<4096x4096xf32, #tpu.memory_space<hbm>> -> memref<8x4096xf32, #tpu.memory_space<hbm>>
    %dma_wait3A_420 = arith.constant 0 : i32
    %dma_wait3A_421 = arith.constant 0 : i32
    %dma_wait3A_422 = tpu.memref_slice %arg6[%dma_wait3A_411, %dma_wait3A_420, %dma_wait3A_421] : memref<3x8x4096xf32, #tpu.memory_space<vmem>> -> memref<1x8x4096xf32, #tpu.memory_space<vmem>>
    %dma_wait3A_423 = tpu.memref_squeeze %dma_wait3A_422 : memref<1x8x4096xf32, #tpu.memory_space<vmem>> -> memref<8x4096xf32, #tpu.memory_space<vmem>>
    tpu.wait_dma2 semaphore(%arg12 : memref<!tpu.dma_semaphore, #tpu.memory_space<semaphore_mem>>) src(%dma_wait3A_423 : memref<8x4096xf32, #tpu.memory_space<vmem>>) dst(%dma_wait3A_419 : memref<8x4096xf32, #tpu.memory_space<hbm>>)
    %dma_wait3A_424 = arith.constant 0 : i32
    %dma_wait3A_425 = arith.constant 0 : i32
    %dma_wait3A_426 = arith.constant 0 : i32
    %dma_wait3A_427 = tpu.memref_slice %arg6[%dma_wait3A_424, %dma_wait3A_425, %dma_wait3A_426] : memref<3x8x4096xf32, #tpu.memory_space<vmem>> -> memref<1x8x4096xf32, #tpu.memory_space<vmem>>
    %dma_wait3A_428 = tpu.memref_squeeze %dma_wait3A_427 : memref<1x8x4096xf32, #tpu.memory_space<vmem>> -> memref<8x4096xf32, #tpu.memory_space<vmem>>
    %dma_wait3A_429 = arith.constant 0 : i32
    %dma_wait3A_430 = tpu.memref_slice %arg4[%add3A_384, %dma_wait3A_429] : memref<4096x4096xf32, #tpu.memory_space<hbm>> -> memref<8x4096xf32, #tpu.memory_space<hbm>>
    %dma_wait3A_431 = arith.constant 0 : i32
    %dma_wait3A_432 = tpu.memref_slice %arg4[%add3A_384, %dma_wait3A_431] : memref<4096x4096xf32, #tpu.memory_space<hbm>> -> memref<8x4096xf32, #tpu.memory_space<hbm>>
    %dma_wait3A_433 = arith.constant 0 : i32
    %dma_wait3A_434 = arith.constant 0 : i32
    %dma_wait3A_435 = tpu.memref_slice %arg6[%dma_wait3A_424, %dma_wait3A_433, %dma_wait3A_434] : memref<3x8x4096xf32, #tpu.memory_space<vmem>> -> memref<1x8x4096xf32, #tpu.memory_space<vmem>>
    %dma_wait3A_436 = tpu.memref_squeeze %dma_wait3A_435 : memref<1x8x4096xf32, #tpu.memory_space<vmem>> -> memref<8x4096xf32, #tpu.memory_space<vmem>>
    tpu.wait_dma2 semaphore(%arg10 : memref<!tpu.dma_semaphore, #tpu.memory_space<semaphore_mem>>) src(%dma_wait3A_436 : memref<8x4096xf32, #tpu.memory_space<vmem>>) dst(%dma_wait3A_432 : memref<8x4096xf32, #tpu.memory_space<hbm>>)
    return
  }
}

</mosaic_0001>

<sc_bundles>
// kernel: kernel.3.cloned.1.call-start
scs
__scs_entry_jumppad:
0x0: {  	(pc) =	sbr.rel $0x88, $3  }
0x1: {  	(tag) =	ssettag $0x0;
	lr =	simm.s32 $0x1  }
0x2: {  	[smem:$0x3F9F] =	sst lr;
	_ =	strace $0xD0000000  }
0x3: {  	_ = 	snop  }
0x4: {  	_ = 	snop  }
0x5: {  	_ = 	snop  }
0x6: {  	_ = 	snop  }
0x7: {  	_ = 	snop  }
__scs_overlays_trampoline_lowered:
0x8: {  	[smem:$0x3FAE] =	sst s0  }
0x9: {  	[smem:$0x3FAF] =	sst s1  }
0xa: {  	[smem:$0x3FB0] =	sst s2  }
0xb: {  	[smem:$0x3FB1] =	sst s3  }
0xc: {  	[smem:$0x3FB2] =	sst s4  }
0xd: {  	[smem:$0x3FB3] =	sst s5  }
0xe: {  	[smem:$0x3FB4] =	sst s6  }
0xf: {  	[smem:$0x3FB5] =	sst s7  }
0x10: {  	[smem:$0x3FB6] =	sst s8  }
0x11: {  	[smem:$0x3FB7] =	sst s9;
	s0 =	simm.s32 @!p0 $0x0  }
0x12: {  	s1 =	sld [smem:$0x3F9D];
	s0 =	simm.s32 @p0 $0x1  }
0x13: {  	[smem:$0x3FB8] =	sst s0;
	s0 =	simm.s32 @!p1 $0x0  }
0x14: {  	s2 =	sld [smem:$0x3F9C];
	s0 =	simm.s32 @p1 $0x1  }
0x15: {  	[smem:$0x3FB9] =	sst s0;
	s0 =	simm.s32 @!p2 $0x0  }
0x16: {  	s3 =	sld [smem:$0x3FDB];
	s0 =	simm.s32 @p2 $0x1  }
0x17: {  	s4 =	simm.s32 $0x1BF5;
	[smem:$0x3FBB] =	sst s0  }
0x18: {  	s0 =	sld [smem:$0x3F9E];
	_ =	swait.ge [sflag:s4], $0x0  }
0x19: {  	s7 =	sld [smem:$0x3F9F]  }
0x1a: {  	s8 =	sadd.s32 $0xFFFFE003, lr  }
0x1b: {  	s9 =	sadd.s32 $0xFFFFFEF7, lr;
	s5 =	simm.s32 $0xFFFFFFFF;
	p2 =	slt.u32 s8, $0xFFFFF086  }
0x1c: {  	p1 =	slt.u32 s9, $0xF7A;
	s5 =	simm.s32 @!p2 $0x0  }
0x1d: {  	s5 =	simm.s32 @p1 $0x1;
	p0 =	seq.s32 s7, s2  }
0x1e: {  	s7 =	smul.u32 @!p0 $0xF7A, s2;
	p2 =	seq.s32 @!p0 s5, $0x0  }
0x1f: {  	s9 =	smul.u32 $0xF7A, s1;
	s8 =	simm.s32 @!p0 $0x1BF5;
	p2 =	por !p2, p0  }
0x20: {  	[sflag:s8] =	ssyncset.s32 @!p0 $0xFFFFF086;
	s6 =	sadd.s32 @!p0 s3, s7;
	s7 =	simm.s32 @!p0 $0x108  }
0x21: {  	s3 =	sadd.s32 s3, s9;
	s6 =	sadd.s32 @!p0 $0x88, s6;
	s7 =	simm.s32 @p2 $0x1082  }
0x22: {  	[simem:s7], [sflag:s8] =	dma.local @!p0 [hbm:s6], $0xF7A  }
0x23: {  	s9 =	sor.u32 $0xD0000000, s2;
	s6 =	simm.s32 $0x108;
	_ =	swait.ge @!p0 [sflag:s8], $0x0  }
0x24: {  	s3 =	sadd.s32 $0x88, s3;
	s6 =	simm.s32 @!p1 $0x1082;
	[sflag:s4] =	ssyncset.s32 $0xFFFFF086  }
0x25: {  	[simem:s6], [sflag:s4] =	dma.local [hbm:s3], $0xF7A  }
0x26: {  	[smem:$0x3F9F] =	sst s1;
	(tag) =	ssettag s2;
	_ =	strace s9  }
0x27: {  	s1 =	sld [smem:$0x3FAF]  }
0x28: {  	s2 =	sld [smem:$0x3FB0]  }
0x29: {  	s4 =	sld [smem:$0x3FB2]  }
0x2a: {  	p0 =	seq.s32 s5, $0x0;
	s5 =	sld [smem:$0x3FB3]  }
0x2b: {  	s6 =	sld [smem:$0x3FB4]  }
0x2c: {  	s7 =	sld [smem:$0x3FB5]  }
0x2d: {  	s3 =	simm.s32 $0x108;
	s8 =	sld [smem:$0x3FB6]  }
0x2e: {  	s3 =	simm.s32 @!p0 $0x1082;
	s9 =	sld [smem:$0x3FB7]  }
0x2f: {  	lr =	sadd.s32 s0, s3;
	s0 =	sld [smem:$0x3FAE]  }
0x30: {  	s3 =	sld [smem:$0x3FB1]  }
0x31: {  	[smem:$0x3FBA] =	sst s10  }
0x32: {  	s10 =	sld [smem:$0x3FB8];
	_ =	sdelay $0x3  }
0x33: {  	p0 =	seq.s32 s10, $0x1;
	s10 =	sld [smem:$0x3FBA];
	_ =	sdelay $0x3  }
0x34: {  	[smem:$0x3FBA] =	sst s10  }
0x35: {  	s10 =	sld [smem:$0x3FB9];
	_ =	sdelay $0x3  }
0x36: {  	p1 =	seq.s32 s10, $0x1;
	s10 =	sld [smem:$0x3FBA];
	_ =	sdelay $0x3  }
0x37: {  	[smem:$0x3FBA] =	sst s10  }
0x38: {  	s10 =	sld [smem:$0x3FBB]  }
0x39: {  	_ = 	snop;
	(pc) =	sbr.ind lr, $3  }
0x3a: {  	_ = 	snop  }
0x3b: {  	_ = 	snop  }
0x3c: {  	p2 =	seq.s32 s10, $0x1;
	s10 =	sld [smem:$0x3FBA]  }
0x3d: {  	_ =	shalt  }
0x3e: {  	_ =	shalt  }
0x3f: {  	_ =	shalt  }
0x40: {  	_ =	shalt  }
0x41: {  	_ =	shalt  }
0x42: {  	_ =	shalt  }
0x43: {  	_ =	shalt  }
0x44: {  	_ =	shalt  }
0x45: {  	_ =	shalt  }
0x46: {  	_ =	shalt  }
0x47: {  	_ =	shalt  }
0x48: {  	_ =	shalt  }
0x49: {  	_ =	shalt  }
0x4a: {  	_ =	shalt  }
0x4b: {  	_ =	shalt  }
0x4c: {  	_ =	shalt  }
0x4d: {  	_ =	shalt  }
0x4e: {  	_ =	shalt  }
0x4f: {  	_ =	shalt  }
0x50: {  	_ =	shalt  }
0x51: {  	_ =	shalt  }
0x52: {  	_ =	shalt  }
0x53: {  	_ =	shalt  }
0x54: {  	_ =	shalt  }
0x55: {  	_ =	shalt  }
0x56: {  	_ =	shalt  }
0x57: {  	_ =	shalt  }
0x58: {  	_ =	shalt  }
0x59: {  	_ =	shalt  }
0x5a: {  	_ =	shalt  }
0x5b: {  	_ =	shalt  }
0x5c: {  	_ =	shalt  }
0x5d: {  	_ =	shalt  }
0x5e: {  	_ =	shalt  }
0x5f: {  	_ =	shalt  }
0x60: {  	_ =	shalt  }
0x61: {  	_ =	shalt  }
0x62: {  	_ =	shalt  }
0x63: {  	_ =	shalt  }
0x64: {  	_ =	shalt  }
0x65: {  	_ =	shalt  }
0x66: {  	_ =	shalt  }
0x67: {  	_ =	shalt  }
0x68: {  	_ =	shalt  }
0x69: {  	_ =	shalt  }
0x6a: {  	_ =	shalt  }
0x6b: {  	_ =	shalt  }
0x6c: {  	_ =	shalt  }
0x6d: {  	_ =	shalt  }
0x6e: {  	_ =	shalt  }
0x6f: {  	_ =	shalt  }
0x70: {  	_ =	shalt  }
0x71: {  	_ =	shalt  }
0x72: {  	_ =	shalt  }
0x73: {  	_ =	shalt  }
0x74: {  	_ =	shalt  }
0x75: {  	_ =	shalt  }
0x76: {  	_ =	shalt  }
0x77: {  	_ =	shalt  }
0x78: {  	_ =	shalt  }
0x79: {  	_ =	shalt  }
0x7a: {  	_ =	shalt  }
0x7b: {  	_ =	shalt  }
0x7c: {  	_ =	shalt  }
0x7d: {  	_ =	shalt  }
0x7e: {  	_ =	shalt  }
0x7f: {  	_ =	shalt  }
0x80: {  	_ =	shalt  }
0x81: {  	_ =	shalt  }
0x82: {  	_ =	shalt  }
0x83: {  	_ =	shalt  }
0x84: {  	_ =	shalt  }
0x85: {  	_ =	shalt  }
0x86: {  	_ =	shalt  }
0x87: {  	_ =	shalt  }
.Lfunc_end0:
.L_simem_size_0:
called_computation_lowered:
.L_overlay_start_0:
0x88: {  	s2 =	sld [smem:$0x3FD9]  }
0x89: {  	s3 =	sld [smem:$0x3FFE];
	_ =	sdelay $0x1  }
0x8a: {  	s1 =	srdreg.scid  }
0x8b: {  	s0 =	sand.u32 $0x1, s1  }
0x8c: {  	s18 =	sshll.u32 s0, $0xA;
	s2 =	sadd.s32 s3, s2  }
0x8d: {  	s2 =	sadd.s32 s2, s18  }
0x8e: {  	[smem:$0x3FC6] =	sst s2  }
0x8f: {  	_ = 	snop  }
0x90: {  	s2 =	sld [smem:$0x3FC9]  }
0x91: {  	s19 =	sld [smem:$0x3FC8]  }
0x92: {  	s4 =	sld [smem:$0x3FD0];
	(tm) =	ssettm $0x1  }
0x93: {  	s5 =	sld [smem:$0x3FFB];
	_ =	sdelay $0x3  }
0x94: {  	_ =	strace s5  }
0x95: {  	s5 =	sld [smem:$0x3FFC];
	_ =	sdelay $0x3  }
0x96: {  	_ =	strace s5  }
0x97: {  	s5 =	sld [smem:$0x3FFD];
	_ =	sdelay $0x3  }
0x98: {  	_ =	strace s5  }
0x99: {  	_ =	strace $0x8FFFFFFF  }
0x9a: {  	s20 =	sld [smem:$0x3FDB];
	_ =	sdelay $0x1  }
0x9b: {  	s6 =	simm.s32 $_scs_section_size  }
0x9c: {  	s7 =	simm.s32 $_size__tile_overlayer_lowered;
	s8 =	simm.s32 $_tile_overlayer_lowered  }
0x9d: {  	s23 =	simm.s32 $0x1BFF;
	s22 =	sshll.u32 s8, $0x1;
	s5 =	sadd.s32 s6, s20  }
0x9e: {  	s9 =	simm.s32 $0x0;
	s21 =	sshll.u32 s7, $0x1;
	s7 =	sadd.s32 s22, s5  }
0x9f: {  	[timem:s9], [sflag:s23] =	dma.local [hbm:s7], s21  }
0xa0: {  	_ =	swait.ge [sflag:s23], s21  }
0xa1: {  	s6 =	ssub.s32 $0x0, s21;
	[sflag:s23] =	ssyncset.done $0x0  }
0xa2: {  	[sflag:s23] =	ssyncadd.s32 s6;
	_ =	sdelay $0x1  }
0xa3: {  	s24 =	simm.s32 $0x1B8B  }
0xa4: {  	_ =	swait.ge [sflag:s24], $0x1  }
0xa5: {  	[sflag:s24] =	ssyncset.done $0x0  }
0xa6: {  	s25 =	simm.s32 $0x1B8E;
	[sflag:s24] =	ssyncadd.s32 $0xFFFFFFFF  }
0xa7: {  	s26 =	simm.s32 $execute0_lowered;
	[smem:$0x3FD2] =	sst s25  }
0xa8: {  	s6 =	sshll.u32 s26, $0x1;
	_ =	strace $0x80000046;
	[dreg:$0x1] =	wrdreg $0xFFFFFFFF  }
0xa9: {  	s28 =	simm.s32 $_size_execute0_lowered;
	s5 =	sadd.s32 s5, s6;
	[dreg:$0x0] =	wrdreg $0x0  }
0xaa: {  	s6 =	sshll.u32 s28, $0x1;
	[dreg:$0x2] =	wrdreg s5  }
0xab: {  	[dreg:$0x3] =	wrdreg s6  }
0xac: {  	[dreg:$0x4] =	wrdreg $0xC0  }
0xad: {  	_ =	task [dreg:s9], $0x5FFFF  }
0xae: {  	[dreg:$0x1] =	wrdreg $0xFFFFFFFF  }
0xaf: {  	[dreg:$0x0] =	wrdreg $0x60  }
0xb0: {  	[dreg:$0x2] =	wrdreg s2  }
0xb1: {  	[dreg:$0x3] =	wrdreg s19  }
0xb2: {  	[dreg:$0x4] =	wrdreg s4  }
0xb3: {  	[dreg:$0x5] =	wrdreg $0x9  }
0xb4: {  	_ =	task.clear_ibuf [dreg:s9], $0x6FFFF;
	_ =	strace $0x90000046  }
0xb5: {  	s29 =	simm.s32 $0x9;
	_ =	strace $0x80000048  }
0xb6: {  	_ =	swait.ge [sflag:s29], $0x1  }
0xb7: {  	[sflag:s29] =	ssyncadd.s32 $0xFFFFFFFF  }
0xb8: {  	_ =	strace $0x90000048  }
0xb9: {  	_ =	sfence  }
0xba: {  	s30 =	sld [smem:$0x0];
	_ =	sdelay $0x2  }
0xbb: {  	s31 =	sshll.u32 s1, $0xD;
	s1 =	sshrl.u32 s1, $0x2  }
0xbc: {  	s3 =	sand.u32 $0x4000, s31;
	s1 =	sadd.s32 s1, s30  }
0xbd: {  	s0 =	sor.u32 s3, s0;
	s1 =	sshll.u32 s1, $0x11  }
0xbe: {  	s0 =	sor.u32 s1, s0  }
0xbf: {  	s0 =	sadd.s32 $0x8F2B, s0  }
0xc0: {  	[sflag:s0] =	ssyncadd.remote.s32 $0x1  }
0xc1: {  	_ =	sfence.sel $0xFFFF  }
0xc2: {  	[dreg:$0x0] =	wrdreg $0xFFFFFFFF;
	(pc) =	sbr.abs _section_cstart, $3  }
0xc3: {  	[dreg:$0x1] =	wrdreg $0xFFFFFFFF  }
0xc4: {  	_ =	task.clear_ibuf [dreg:s9], $0x2FFFF;
	_ =	strace $0x9FFFFFFF  }
0xc5: {  	(tm) =	ssettm $0x7FFFFFFF  }
tec
execute0_lowered:
.L_overlay_start_1:
0x0: {  	(tag) =	ssettag $0x1  }
0x1: {  	s0 =	rddreg [dreg:$0x0]  }
0x2: {  	s2 =	rddreg [dreg:$0x1];
	s1 =	srdreg.scid  }
0x3: {  	s3 =	stileid.u32;
	s15 =	rddreg [dreg:$0x2]  }
0x4: {  	s28 =	simm.s32 $0x1;
	s29 =	simm.s32 $0x2;
	s30 =	simm.s32 $0x3  }
0x5: {  	s1 =	sand.u32 $0x1, s1;
	s4 =	sshll.u32 s3, $0x1;
	s3 =	simm.s32 $0x0  }
0x6: {  	s6 =	sadd.s32 $0x300, s2;
	s7 =	sadd.s32 $0x400, s2;
	s8 =	sadd.s32 $0x500, s2  }
0x7: {  	s9 =	sadd.s32 $0x600, s2;
	s10 =	sadd.s32 $0x700, s2;
	s11 =	sadd.s32 $0x800, s2  }
0x8: {  	s12 =	sadd.s32 $0x900, s2;
	s14 =	sadd.s32 $0xB00, s2;
	s16 =	sadd.s32 $0xD00, s2  }
0x9: {  	s17 =	sadd.s32 $0xE00, s2;
	s13 =	sor.u32 s1, s4;
	[smem:$0x7FF] =	sst s3  }
0xa: {  	s4 =	sand.u32 $0x10, s4;
	s1 =	ssub.s32 $0x2, s1;
	s5 =	sshll.u32 s13, $0x5  }
0xb: {  	s0 =	sadd.s32 s0, s4;
	_ =	strace $0x80000047;
	s5 =	sand.u32 $0x1E0, s5  }
0xc: {  	s26 =	sshrl.u32 s1, $0x1;
	s31 =	sshll.u32 s13, $0x10;
	s0 =	sadd.s32 s5, s0  }
0xd: {  	s4 =	sadd.s32 $0x100, s2;
	[dreg:$0x4] =	wrdreg s0;
	s0 =	sadd.s32 s31, s15  }
0xe: {  	s13 =	sadd.s32 $0xA00, s2;
	s1 =	ssub.s32 s1, s26;
	s18 =	sadd.s32 $0xD000, s0  }
0xf: {  	v0 =	vlaneseq.u32;
	s5 =	sadd.s32 $0x200, s2;
	s19 =	sadd.s32 $0xE000, s0;
	[dreg:$0x5] =	wrdreg s18  }
0x10: {  	v1 =	vshrl.u32 v0, $0x3;
	s1 =	smax.u32 s1, $0x1;
	s0 =	sadd.s32 $0xF000, s0;
	[dreg:$0x6] =	wrdreg s19  }
0x11: {  	vm0 =	vmmov $0xffff;
	v0 =	vand.u32 $0x7, v0;
	v1 =	vmul.u32 $0x8, v1;
	s15 =	sadd.s32 $0xC00, s2;
	s18 =	sadd.s32 $0xF00, s2;
	[dreg:$0x7] =	wrdreg s0  }
.LBB2_1:
0x12: {  	[dreg:$0x8] =	wrdreg s1  }
0x13: {  	s31 =	rddreg [dreg:$0x4];
	s23 =	simm.s32 $0x7  }
0x14: {  	[tilespmem:s3], [sflag:$0x7] =	stream.linear.gather [hbm4b:s31+s3], $0x80, $0x38;
	[tilespmem:$0x18080] =	vst v63  }
0x15: {  	_ =	swait.ge [sflag:s23], $0x80  }
0x16: {  	[sflag:s23] =	ssyncset.done $0x0  }
0x17: {  	[sflag:s23] =	ssyncadd.s32 $0xFFFFFF80  }
0x18: {  	v2 =	vld.msk [tilespmem:$0x0], $0xff;
	_ =	sdelay $0x4  }
0x19: {  	v3 =	vshll.u32 v2, $0x5  }
0x1a: {  	v2 =	vand.u32 $0x7, v2;
	v3 =	vand.u32 $0xFFFFFF00, v3  }
0x1b: {  	v2 =	vor.u32 v2, v3  }
0x1c: {  	v2 =	vperm.xlane v2, v0;
	_ =	sdelay $0x1  }
0x1d: {  	v2 =	vadd.s32 v1, v2;
	_ =	sdelay $0x3  }
0x1e: {  	s0 =	simm.s32 $0x80;
	s2 =	rddreg [dreg:$0x1]  }
0x1f: {  	[tilespmem:s0], [sflag:$0x1] =	stream.indirect_vreg.gather [hbm4b:s2+s3], $0x80, v2, vm0, $0xb8;
	[tilespmem:$0x18080] =	vst v63  }
0x20: {  	s24 =	simm.s32 $0x880  }
0x21: {  	[tilespmem:s24], [sflag:$0x1] =	stream.indirect_vreg.gather [hbm4b:s4+s3], $0x80, v2, vm0, $0xb8;
	[tilespmem:$0x18080] =	vst v63  }
0x22: {  	s25 =	simm.s32 $0x1080  }
0x23: {  	[tilespmem:s25], [sflag:$0x1] =	stream.indirect_vreg.gather [hbm4b:s5+s3], $0x80, v2, vm0, $0xb8;
	[tilespmem:$0x18080] =	vst v63  }
0x24: {  	s26 =	simm.s32 $0x1880  }
0x25: {  	[tilespmem:s26], [sflag:$0x1] =	stream.indirect_vreg.gather [hbm4b:s6+s3], $0x80, v2, vm0, $0xb8;
	[tilespmem:$0x18080] =	vst v63  }
0x26: {  	s31 =	simm.s32 $0x2080  }
0x27: {  	[tilespmem:s31], [sflag:$0x1] =	stream.indirect_vreg.gather [hbm4b:s7+s3], $0x80, v2, vm0, $0xb8;
	[tilespmem:$0x18080] =	vst v63  }
0x28: {  	s19 =	simm.s32 $0x2880  }
0x29: {  	[tilespmem:s19], [sflag:$0x1] =	stream.indirect_vreg.gather [hbm4b:s8+s3], $0x80, v2, vm0, $0xb8;
	[tilespmem:$0x18080] =	vst v63  }
0x2a: {  	s20 =	simm.s32 $0x3080  }
0x2b: {  	[tilespmem:s20], [sflag:$0x1] =	stream.indirect_vreg.gather [hbm4b:s9+s3], $0x80, v2, vm0, $0xb8;
	[tilespmem:$0x18080] =	vst v63  }
0x2c: {  	s21 =	simm.s32 $0x3880  }
0x2d: {  	[tilespmem:s21], [sflag:$0x1] =	stream.indirect_vreg.gather [hbm4b:s10+s3], $0x80, v2, vm0, $0xb8;
	[tilespmem:$0x18080] =	vst v63  }
0x2e: {  	s22 =	simm.s32 $0x4080  }
0x2f: {  	[tilespmem:s22], [sflag:$0x1] =	stream.indirect_vreg.gather [hbm4b:s11+s3], $0x80, v2, vm0, $0xb8;
	[tilespmem:$0x18080] =	vst v63  }
0x30: {  	s23 =	simm.s32 $0x4880  }
0x31: {  	[tilespmem:s23], [sflag:$0x1] =	stream.indirect_vreg.gather [hbm4b:s12+s3], $0x80, v2, vm0, $0xb8;
	[tilespmem:$0x18080] =	vst v63  }
0x32: {  	s24 =	simm.s32 $0x5080  }
0x33: {  	[tilespmem:s24], [sflag:$0x1] =	stream.indirect_vreg.gather [hbm4b:s13+s3], $0x80, v2, vm0, $0xb8;
	[tilespmem:$0x18080] =	vst v63  }
0x34: {  	s25 =	simm.s32 $0x5880  }
0x35: {  	[tilespmem:s25], [sflag:$0x1] =	stream.indirect_vreg.gather [hbm4b:s14+s3], $0x80, v2, vm0, $0xb8;
	[tilespmem:$0x18080] =	vst v63  }
0x36: {  	s26 =	simm.s32 $0x6080  }
0x37: {  	[tilespmem:s26], [sflag:$0x1] =	stream.indirect_vreg.gather [hbm4b:s15+s3], $0x80, v2, vm0, $0xb8;
	[tilespmem:$0x18080] =	vst v63  }
0x38: {  	s19 =	simm.s32 $0x6880  }
0x39: {  	[tilespmem:s19], [sflag:$0x1] =	stream.indirect_vreg.gather [hbm4b:s16+s3], $0x80, v2, vm0, $0xb8;
	[tilespmem:$0x18080] =	vst v63  }
0x3a: {  	s20 =	simm.s32 $0x7080  }
0x3b: {  	[tilespmem:s20], [sflag:$0x1] =	stream.indirect_vreg.gather [hbm4b:s17+s3], $0x80, v2, vm0, $0xb8;
	[tilespmem:$0x18080] =	vst v63  }
0x3c: {  	s21 =	simm.s32 $0x7880  }
0x3d: {  	[tilespmem:s21], [sflag:$0x1] =	stream.indirect_vreg.gather [hbm4b:s18+s3], $0x80, v2, vm0, $0xb8;
	[tilespmem:$0x18080] =	vst v63  }
0x3e: {  	v2 =	vld.msk [tilespmem:$0x8], $0xff;
	_ =	sdelay $0x4  }
0x3f: {  	v3 =	vshll.u32 v2, $0x5  }
0x40: {  	v2 =	vand.u32 $0x7, v2;
	v3 =	vand.u32 $0xFFFFFF00, v3  }
0x41: {  	v2 =	vor.u32 v2, v3  }
0x42: {  	v2 =	vperm.xlane v2, v0;
	_ =	sdelay $0x1  }
0x43: {  	v2 =	vadd.s32 v1, v2;
	_ =	sdelay $0x3  }
0x44: {  	s22 =	simm.s32 $0x8080  }
0x45: {  	[tilespmem:s22], [sflag:$0x2] =	stream.indirect_vreg.gather [hbm4b:s2+s3], $0x80, v2, vm0, $0xb8;
	[tilespmem:$0x18080] =	vst v63  }
0x46: {  	s23 =	simm.s32 $0x8880  }
0x47: {  	[tilespmem:s23], [sflag:$0x2] =	stream.indirect_vreg.gather [hbm4b:s4+s3], $0x80, v2, vm0, $0xb8;
	[tilespmem:$0x18080] =	vst v63  }
0x48: {  	s24 =	simm.s32 $0x9080  }
0x49: {  	[tilespmem:s24], [sflag:$0x2] =	stream.indirect_vreg.gather [hbm4b:s5+s3], $0x80, v2, vm0, $0xb8;
	[tilespmem:$0x18080] =	vst v63  }
0x4a: {  	s25 =	simm.s32 $0x9880  }
0x4b: {  	[tilespmem:s25], [sflag:$0x2] =	stream.indirect_vreg.gather [hbm4b:s6+s3], $0x80, v2, vm0, $0xb8;
	[tilespmem:$0x18080] =	vst v63  }
0x4c: {  	s26 =	simm.s32 $0xA080  }
0x4d: {  	[tilespmem:s26], [sflag:$0x2] =	stream.indirect_vreg.gather [hbm4b:s7+s3], $0x80, v2, vm0, $0xb8;
	[tilespmem:$0x18080] =	vst v63  }
0x4e: {  	s19 =	simm.s32 $0xA880  }
0x4f: {  	[tilespmem:s19], [sflag:$0x2] =	stream.indirect_vreg.gather [hbm4b:s8+s3], $0x80, v2, vm0, $0xb8;
	[tilespmem:$0x18080] =	vst v63  }
0x50: {  	s20 =	simm.s32 $0xB080  }
0x51: {  	[tilespmem:s20], [sflag:$0x2] =	stream.indirect_vreg.gather [hbm4b:s9+s3], $0x80, v2, vm0, $0xb8;
	[tilespmem:$0x18080] =	vst v63  }
0x52: {  	s21 =	simm.s32 $0xB880  }
0x53: {  	[tilespmem:s21], [sflag:$0x2] =	stream.indirect_vreg.gather [hbm4b:s10+s3], $0x80, v2, vm0, $0xb8;
	[tilespmem:$0x18080] =	vst v63  }
0x54: {  	s22 =	simm.s32 $0xC080  }
0x55: {  	[tilespmem:s22], [sflag:$0x2] =	stream.indirect_vreg.gather [hbm4b:s11+s3], $0x80, v2, vm0, $0xb8;
	[tilespmem:$0x18080] =	vst v63  }
0x56: {  	s23 =	simm.s32 $0xC880  }
0x57: {  	[tilespmem:s23], [sflag:$0x2] =	stream.indirect_vreg.gather [hbm4b:s12+s3], $0x80, v2, vm0, $0xb8;
	[tilespmem:$0x18080] =	vst v63  }
0x58: {  	s24 =	simm.s32 $0xD080  }
0x59: {  	[tilespmem:s24], [sflag:$0x2] =	stream.indirect_vreg.gather [hbm4b:s13+s3], $0x80, v2, vm0, $0xb8;
	[tilespmem:$0x18080] =	vst v63  }
0x5a: {  	s25 =	simm.s32 $0xD880  }
0x5b: {  	[tilespmem:s25], [sflag:$0x2] =	stream.indirect_vreg.gather [hbm4b:s14+s3], $0x80, v2, vm0, $0xb8;
	[tilespmem:$0x18080] =	vst v63  }
0x5c: {  	s26 =	simm.s32 $0xE080  }
0x5d: {  	[tilespmem:s26], [sflag:$0x2] =	stream.indirect_vreg.gather [hbm4b:s15+s3], $0x80, v2, vm0, $0xb8;
	[tilespmem:$0x18080] =	vst v63  }
0x5e: {  	s19 =	simm.s32 $0xE880  }
0x5f: {  	[tilespmem:s19], [sflag:$0x2] =	stream.indirect_vreg.gather [hbm4b:s16+s3], $0x80, v2, vm0, $0xb8;
	[tilespmem:$0x18080] =	vst v63  }
0x60: {  	s20 =	simm.s32 $0xF080  }
0x61: {  	[tilespmem:s20], [sflag:$0x2] =	stream.indirect_vreg.gather [hbm4b:s17+s3], $0x80, v2, vm0, $0xb8;
	[tilespmem:$0x18080] =	vst v63  }
0x62: {  	s21 =	simm.s32 $0xF880  }
0x63: {  	[tilespmem:s21], [sflag:$0x2] =	stream.indirect_vreg.gather [hbm4b:s18+s3], $0x80, v2, vm0, $0xb8;
	[tilespmem:$0x18080] =	vst v63  }
0x64: {  	v2 =	vld.msk [tilespmem:$0x10], $0xff;
	_ =	sdelay $0x4  }
0x65: {  	v3 =	vshll.u32 v2, $0x5  }
0x66: {  	v2 =	vand.u32 $0x7, v2;
	v3 =	vand.u32 $0xFFFFFF00, v3  }
0x67: {  	v2 =	vor.u32 v2, v3  }
0x68: {  	v2 =	vperm.xlane v2, v0;
	_ =	sdelay $0x1  }
0x69: {  	v2 =	vadd.s32 v1, v2;
	_ =	sdelay $0x3  }
0x6a: {  	s22 =	simm.s32 $0x10080  }
0x6b: {  	[tilespmem:s22], [sflag:$0x3] =	stream.indirect_vreg.gather [hbm4b:s2+s3], $0x80, v2, vm0, $0xb8;
	[tilespmem:$0x18080] =	vst v63  }
0x6c: {  	s23 =	simm.s32 $0x10880  }
0x6d: {  	[tilespmem:s23], [sflag:$0x3] =	stream.indirect_vreg.gather [hbm4b:s4+s3], $0x80, v2, vm0, $0xb8;
	[tilespmem:$0x18080] =	vst v63  }
0x6e: {  	s24 =	simm.s32 $0x11080  }
0x6f: {  	[tilespmem:s24], [sflag:$0x3] =	stream.indirect_vreg.gather [hbm4b:s5+s3], $0x80, v2, vm0, $0xb8;
	[tilespmem:$0x18080] =	vst v63  }
0x70: {  	s25 =	simm.s32 $0x11880  }
0x71: {  	[tilespmem:s25], [sflag:$0x3] =	stream.indirect_vreg.gather [hbm4b:s6+s3], $0x80, v2, vm0, $0xb8;
	[tilespmem:$0x18080] =	vst v63  }
0x72: {  	s26 =	simm.s32 $0x12080  }
0x73: {  	[tilespmem:s26], [sflag:$0x3] =	stream.indirect_vreg.gather [hbm4b:s7+s3], $0x80, v2, vm0, $0xb8;
	[tilespmem:$0x18080] =	vst v63  }
0x74: {  	s20 =	simm.s32 $0x12880  }
0x75: {  	[tilespmem:s20], [sflag:$0x3] =	stream.indirect_vreg.gather [hbm4b:s8+s3], $0x80, v2, vm0, $0xb8;
	[tilespmem:$0x18080] =	vst v63  }
0x76: {  	s21 =	simm.s32 $0x13080  }
0x77: {  	[tilespmem:s21], [sflag:$0x3] =	stream.indirect_vreg.gather [hbm4b:s9+s3], $0x80, v2, vm0, $0xb8;
	[tilespmem:$0x18080] =	vst v63  }
0x78: {  	s22 =	simm.s32 $0x13880  }
0x79: {  	[tilespmem:s22], [sflag:$0x3] =	stream.indirect_vreg.gather [hbm4b:s10+s3], $0x80, v2, vm0, $0xb8;
	[tilespmem:$0x18080] =	vst v63  }
0x7a: {  	s23 =	simm.s32 $0x14080  }
0x7b: {  	[tilespmem:s23], [sflag:$0x3] =	stream.indirect_vreg.gather [hbm4b:s11+s3], $0x80, v2, vm0, $0xb8;
	[tilespmem:$0x18080] =	vst v63  }
0x7c: {  	s24 =	simm.s32 $0x14880  }
0x7d: {  	[tilespmem:s24], [sflag:$0x3] =	stream.indirect_vreg.gather [hbm4b:s12+s3], $0x80, v2, vm0, $0xb8;
	[tilespmem:$0x18080] =	vst v63  }
0x7e: {  	s25 =	simm.s32 $0x15080  }
0x7f: {  	[tilespmem:s25], [sflag:$0x3] =	stream.indirect_vreg.gather [hbm4b:s13+s3], $0x80, v2, vm0, $0xb8;
	[tilespmem:$0x18080] =	vst v63  }
0x80: {  	s26 =	simm.s32 $0x15880  }
0x81: {  	[tilespmem:s26], [sflag:$0x3] =	stream.indirect_vreg.gather [hbm4b:s14+s3], $0x80, v2, vm0, $0xb8;
	[tilespmem:$0x18080] =	vst v63  }
0x82: {  	s20 =	simm.s32 $0x16080  }
0x83: {  	[tilespmem:s20], [sflag:$0x3] =	stream.indirect_vreg.gather [hbm4b:s15+s3], $0x80, v2, vm0, $0xb8;
	[tilespmem:$0x18080] =	vst v63  }
0x84: {  	s21 =	simm.s32 $0x16880  }
0x85: {  	[tilespmem:s21], [sflag:$0x3] =	stream.indirect_vreg.gather [hbm4b:s16+s3], $0x80, v2, vm0, $0xb8;
	[tilespmem:$0x18080] =	vst v63  }
0x86: {  	s22 =	simm.s32 $0x17080  }
0x87: {  	[tilespmem:s22], [sflag:$0x3] =	stream.indirect_vreg.gather [hbm4b:s17+s3], $0x80, v2, vm0, $0xb8;
	[tilespmem:$0x18080] =	vst v63  }
0x88: {  	s23 =	simm.s32 $0x17880  }
0x89: {  	[tilespmem:s23], [sflag:$0x3] =	stream.indirect_vreg.gather [hbm4b:s18+s3], $0x80, v2, vm0, $0xb8;
	[tilespmem:$0x18080] =	vst v63  }
0x8a: {  	_ =	swait.ge [sflag:s28], $0x8000  }
0x8b: {  	[sflag:s28] =	ssyncset.done $0x0  }
0x8c: {  	[sflag:s28] =	ssyncadd.s32 $0xFFFF8000  }
0x8d: {  	v2 =	vld.msk [tilespmem:$0x18], $0xff;
	_ =	sdelay $0x4  }
0x8e: {  	v3 =	vshll.u32 v2, $0x5  }
0x8f: {  	v2 =	vand.u32 $0x7, v2;
	v3 =	vand.u32 $0xFFFFFF00, v3  }
0x90: {  	v2 =	vor.u32 v2, v3  }
0x91: {  	v2 =	vperm.xlane v2, v0;
	_ =	sdelay $0x1  }
0x92: {  	v2 =	vadd.s32 v1, v2;
	_ =	sdelay $0x3  }
0x93: {  	s0 =	simm.s32 $0x80  }
0x94: {  	[tilespmem:s0], [sflag:$0x1] =	stream.indirect_vreg.gather [hbm4b:s2+s3], $0x80, v2, vm0, $0xb8;
	[tilespmem:$0x18080] =	vst v63  }
0x95: {  	s24 =	simm.s32 $0x880  }
0x96: {  	[tilespmem:s24], [sflag:$0x1] =	stream.indirect_vreg.gather [hbm4b:s4+s3], $0x80, v2, vm0, $0xb8;
	[tilespmem:$0x18080] =	vst v63  }
0x97: {  	s25 =	simm.s32 $0x1080  }
0x98: {  	[tilespmem:s25], [sflag:$0x1] =	stream.indirect_vreg.gather [hbm4b:s5+s3], $0x80, v2, vm0, $0xb8;
	[tilespmem:$0x18080] =	vst v63  }
0x99: {  	s26 =	simm.s32 $0x1880  }
0x9a: {  	[tilespmem:s26], [sflag:$0x1] =	stream.indirect_vreg.gather [hbm4b:s6+s3], $0x80, v2, vm0, $0xb8;
	[tilespmem:$0x18080] =	vst v63  }
0x9b: {  	s22 =	simm.s32 $0x2080  }
0x9c: {  	[tilespmem:s22], [sflag:$0x1] =	stream.indirect_vreg.gather [hbm4b:s7+s3], $0x80, v2, vm0, $0xb8;
	[tilespmem:$0x18080] =	vst v63  }
0x9d: {  	s23 =	simm.s32 $0x2880  }
0x9e: {  	[tilespmem:s23], [sflag:$0x1] =	stream.indirect_vreg.gather [hbm4b:s8+s3], $0x80, v2, vm0, $0xb8;
	[tilespmem:$0x18080] =	vst v63  }
0x9f: {  	s24 =	simm.s32 $0x3080  }
0xa0: {  	[tilespmem:s24], [sflag:$0x1] =	stream.indirect_vreg.gather [hbm4b:s9+s3], $0x80, v2, vm0, $0xb8;
	[tilespmem:$0x18080] =	vst v63  }
0xa1: {  	s25 =	simm.s32 $0x3880  }
0xa2: {  	[tilespmem:s25], [sflag:$0x1] =	stream.indirect_vreg.gather [hbm4b:s10+s3], $0x80, v2, vm0, $0xb8;
	[tilespmem:$0x18080] =	vst v63  }
0xa3: {  	s26 =	simm.s32 $0x4080  }
0xa4: {  	[tilespmem:s26], [sflag:$0x1] =	stream.indirect_vreg.gather [hbm4b:s11+s3], $0x80, v2, vm0, $0xb8;
	[tilespmem:$0x18080] =	vst v63  }
0xa5: {  	s21 =	simm.s32 $0x4880  }
0xa6: {  	[tilespmem:s21], [sflag:$0x1] =	stream.indirect_vreg.gather [hbm4b:s12+s3], $0x80, v2, vm0, $0xb8;
	[tilespmem:$0x18080] =	vst v63  }
0xa7: {  	s20 =	simm.s32 $0x5080  }
0xa8: {  	[tilespmem:s20], [sflag:$0x1] =	stream.indirect_vreg.gather [hbm4b:s13+s3], $0x80, v2, vm0, $0xb8;
	[tilespmem:$0x18080] =	vst v63  }
0xa9: {  	s31 =	simm.s32 $0x5880  }
0xaa: {  	[tilespmem:s31], [sflag:$0x1] =	stream.indirect_vreg.gather [hbm4b:s14+s3], $0x80, v2, vm0, $0xb8;
	[tilespmem:$0x18080] =	vst v63  }
0xab: {  	s31 =	simm.s32 $0x6080  }
0xac: {  	[tilespmem:s31], [sflag:$0x1] =	stream.indirect_vreg.gather [hbm4b:s15+s3], $0x80, v2, vm0, $0xb8;
	[tilespmem:$0x18080] =	vst v63  }
0xad: {  	s1 =	simm.s32 $0x6880  }
0xae: {  	[tilespmem:s1], [sflag:$0x1] =	stream.indirect_vreg.gather [hbm4b:s16+s3], $0x80, v2, vm0, $0xb8;
	[tilespmem:$0x18080] =	vst v63  }
0xaf: {  	s1 =	simm.s32 $0x7080  }
0xb0: {  	[tilespmem:s1], [sflag:$0x1] =	stream.indirect_vreg.gather [hbm4b:s17+s3], $0x80, v2, vm0, $0xb8;
	[tilespmem:$0x18080] =	vst v63  }
0xb1: {  	s1 =	simm.s32 $0x7880  }
0xb2: {  	[tilespmem:s1], [sflag:$0x1] =	stream.indirect_vreg.gather [hbm4b:s18+s3], $0x80, v2, vm0, $0xb8;
	[tilespmem:$0x18080] =	vst v63  }
0xb3: {  	_ =	swait.ge [sflag:s29], $0x8000  }
0xb4: {  	[sflag:s29] =	ssyncset.done $0x0  }
0xb5: {  	[sflag:s29] =	ssyncadd.s32 $0xFFFF8000  }
0xb6: {  	v2 =	vld.msk [tilespmem:$0x20], $0xff;
	_ =	sdelay $0x4  }
0xb7: {  	v3 =	vshll.u32 v2, $0x5  }
0xb8: {  	v2 =	vand.u32 $0x7, v2;
	v3 =	vand.u32 $0xFFFFFF00, v3  }
0xb9: {  	v2 =	vor.u32 v2, v3  }
0xba: {  	v2 =	vperm.xlane v2, v0;
	_ =	sdelay $0x1  }
0xbb: {  	v2 =	vadd.s32 v1, v2;
	_ =	sdelay $0x3  }
0xbc: {  	s1 =	simm.s32 $0x8080  }
0xbd: {  	[tilespmem:s1], [sflag:$0x2] =	stream.indirect_vreg.gather [hbm4b:s2+s3], $0x80, v2, vm0, $0xb8;
	[tilespmem:$0x18080] =	vst v63  }
0xbe: {  	s1 =	simm.s32 $0x8880  }
0xbf: {  	[tilespmem:s1], [sflag:$0x2] =	stream.indirect_vreg.gather [hbm4b:s4+s3], $0x80, v2, vm0, $0xb8;
	[tilespmem:$0x18080] =	vst v63  }
0xc0: {  	s0 =	simm.s32 $0x9080  }
0xc1: {  	[tilespmem:s0], [sflag:$0x2] =	stream.indirect_vreg.gather [hbm4b:s5+s3], $0x80, v2, vm0, $0xb8;
	[tilespmem:$0x18080] =	vst v63  }
0xc2: {  	s0 =	simm.s32 $0x9880  }
0xc3: {  	[tilespmem:s0], [sflag:$0x2] =	stream.indirect_vreg.gather [hbm4b:s6+s3], $0x80, v2, vm0, $0xb8;
	[tilespmem:$0x18080] =	vst v63  }
0xc4: {  	s0 =	simm.s32 $0xA080  }
0xc5: {  	[tilespmem:s0], [sflag:$0x2] =	stream.indirect_vreg.gather [hbm4b:s7+s3], $0x80, v2, vm0, $0xb8;
	[tilespmem:$0x18080] =	vst v63  }
0xc6: {  	s0 =	simm.s32 $0xA880  }
0xc7: {  	[tilespmem:s0], [sflag:$0x2] =	stream.indirect_vreg.gather [hbm4b:s8+s3], $0x80, v2, vm0, $0xb8;
	[tilespmem:$0x18080] =	vst v63  }
0xc8: {  	s0 =	simm.s32 $0xB080  }
0xc9: {  	[tilespmem:s0], [sflag:$0x2] =	stream.indirect_vreg.gather [hbm4b:s9+s3], $0x80, v2, vm0, $0xb8;
	[tilespmem:$0x18080] =	vst v63  }
0xca: {  	s0 =	simm.s32 $0xB880  }
0xcb: {  	[tilespmem:s0], [sflag:$0x2] =	stream.indirect_vreg.gather [hbm4b:s10+s3], $0x80, v2, vm0, $0xb8;
	[tilespmem:$0x18080] =	vst v63  }
0xcc: {  	s0 =	simm.s32 $0xC080  }
0xcd: {  	[tilespmem:s0], [sflag:$0x2] =	stream.indirect_vreg.gather [hbm4b:s11+s3], $0x80, v2, vm0, $0xb8;
	[tilespmem:$0x18080] =	vst v63  }
0xce: {  	s0 =	simm.s32 $0xC880  }
0xcf: {  	[tilespmem:s0], [sflag:$0x2] =	stream.indirect_vreg.gather [hbm4b:s12+s3], $0x80, v2, vm0, $0xb8;
	[tilespmem:$0x18080] =	vst v63  }
0xd0: {  	s0 =	simm.s32 $0xD080  }
0xd1: {  	[tilespmem:s0], [sflag:$0x2] =	stream.indirect_vreg.gather [hbm4b:s13+s3], $0x80, v2, vm0, $0xb8;
	[tilespmem:$0x18080] =	vst v63  }
0xd2: {  	s0 =	simm.s32 $0xD880  }
0xd3: {  	[tilespmem:s0], [sflag:$0x2] =	stream.indirect_vreg.gather [hbm4b:s14+s3], $0x80, v2, vm0, $0xb8;
	[tilespmem:$0x18080] =	vst v63  }
0xd4: {  	s0 =	simm.s32 $0xE080  }
0xd5: {  	[tilespmem:s0], [sflag:$0x2] =	stream.indirect_vreg.gather [hbm4b:s15+s3], $0x80, v2, vm0, $0xb8;
	[tilespmem:$0x18080] =	vst v63  }
0xd6: {  	s0 =	simm.s32 $0xE880  }
0xd7: {  	[tilespmem:s0], [sflag:$0x2] =	stream.indirect_vreg.gather [hbm4b:s16+s3], $0x80, v2, vm0, $0xb8;
	[tilespmem:$0x18080] =	vst v63  }
0xd8: {  	s0 =	simm.s32 $0xF080  }
0xd9: {  	[tilespmem:s0], [sflag:$0x2] =	stream.indirect_vreg.gather [hbm4b:s17+s3], $0x80, v2, vm0, $0xb8;
	[tilespmem:$0x18080] =	vst v63  }
0xda: {  	s0 =	simm.s32 $0xF880  }
0xdb: {  	[tilespmem:s0], [sflag:$0x2] =	stream.indirect_vreg.gather [hbm4b:s18+s3], $0x80, v2, vm0, $0xb8;
	[tilespmem:$0x18080] =	vst v63  }
0xdc: {  	_ =	swait.ge [sflag:s30], $0x8000  }
0xdd: {  	[sflag:s30] =	ssyncset.done $0x0  }
0xde: {  	[sflag:s30] =	ssyncadd.s32 $0xFFFF8000  }
0xdf: {  	v2 =	vld.msk [tilespmem:$0x28], $0xff;
	_ =	sdelay $0x4  }
0xe0: {  	v3 =	vshll.u32 v2, $0x5  }
0xe1: {  	v2 =	vand.u32 $0x7, v2;
	v3 =	vand.u32 $0xFFFFFF00, v3  }
0xe2: {  	v2 =	vor.u32 v2, v3  }
0xe3: {  	v2 =	vperm.xlane v2, v0;
	_ =	sdelay $0x1  }
0xe4: {  	v2 =	vadd.s32 v1, v2;
	_ =	sdelay $0x3  }
0xe5: {  	s19 =	simm.s32 $0x10080  }
0xe6: {  	[tilespmem:s19], [sflag:$0x3] =	stream.indirect_vreg.gather [hbm4b:s2+s3], $0x80, v2, vm0, $0xb8;
	[tilespmem:$0x18080] =	vst v63  }
0xe7: {  	s0 =	simm.s32 $0x10880  }
0xe8: {  	[tilespmem:s0], [sflag:$0x3] =	stream.indirect_vreg.gather [hbm4b:s4+s3], $0x80, v2, vm0, $0xb8;
	[tilespmem:$0x18080] =	vst v63  }
0xe9: {  	s19 =	simm.s32 $0x11080  }
0xea: {  	[tilespmem:s19], [sflag:$0x3] =	stream.indirect_vreg.gather [hbm4b:s5+s3], $0x80, v2, vm0, $0xb8;
	[tilespmem:$0x18080] =	vst v63  }
0xeb: {  	s19 =	simm.s32 $0x11880  }
0xec: {  	[tilespmem:s19], [sflag:$0x3] =	stream.indirect_vreg.gather [hbm4b:s6+s3], $0x80, v2, vm0, $0xb8;
	[tilespmem:$0x18080] =	vst v63  }
0xed: {  	s19 =	simm.s32 $0x12080  }
0xee: {  	[tilespmem:s19], [sflag:$0x3] =	stream.indirect_vreg.gather [hbm4b:s7+s3], $0x80, v2, vm0, $0xb8;
	[tilespmem:$0x18080] =	vst v63  }
0xef: {  	s19 =	simm.s32 $0x12880  }
0xf0: {  	[tilespmem:s19], [sflag:$0x3] =	stream.indirect_vreg.gather [hbm4b:s8+s3], $0x80, v2, vm0, $0xb8;
	[tilespmem:$0x18080] =	vst v63  }
0xf1: {  	s19 =	simm.s32 $0x13080  }
0xf2: {  	[tilespmem:s19], [sflag:$0x3] =	stream.indirect_vreg.gather [hbm4b:s9+s3], $0x80, v2, vm0, $0xb8;
	[tilespmem:$0x18080] =	vst v63  }
0xf3: {  	s19 =	simm.s32 $0x13880  }
0xf4: {  	[tilespmem:s19], [sflag:$0x3] =	stream.indirect_vreg.gather [hbm4b:s10+s3], $0x80, v2, vm0, $0xb8;
	[tilespmem:$0x18080] =	vst v63  }
0xf5: {  	s19 =	simm.s32 $0x14080  }
0xf6: {  	[tilespmem:s19], [sflag:$0x3] =	stream.indirect_vreg.gather [hbm4b:s11+s3], $0x80, v2, vm0, $0xb8;
	[tilespmem:$0x18080] =	vst v63  }
0xf7: {  	s19 =	simm.s32 $0x14880  }
0xf8: {  	[tilespmem:s19], [sflag:$0x3] =	stream.indirect_vreg.gather [hbm4b:s12+s3], $0x80, v2, vm0, $0xb8;
	[tilespmem:$0x18080] =	vst v63  }
0xf9: {  	s19 =	simm.s32 $0x15080  }
0xfa: {  	[tilespmem:s19], [sflag:$0x3] =	stream.indirect_vreg.gather [hbm4b:s13+s3], $0x80, v2, vm0, $0xb8;
	[tilespmem:$0x18080] =	vst v63  }
0xfb: {  	s19 =	simm.s32 $0x15880  }
0xfc: {  	[tilespmem:s19], [sflag:$0x3] =	stream.indirect_vreg.gather [hbm4b:s14+s3], $0x80, v2, vm0, $0xb8;
	[tilespmem:$0x18080] =	vst v63  }
0xfd: {  	s19 =	simm.s32 $0x16080  }
0xfe: {  	[tilespmem:s19], [sflag:$0x3] =	stream.indirect_vreg.gather [hbm4b:s15+s3], $0x80, v2, vm0, $0xb8;
	[tilespmem:$0x18080] =	vst v63  }
0xff: {  	s19 =	simm.s32 $0x16880  }
0x100: {  	[tilespmem:s19], [sflag:$0x3] =	stream.indirect_vreg.gather [hbm4b:s16+s3], $0x80, v2, vm0, $0xb8;
	[tilespmem:$0x18080] =	vst v63  }
0x101: {  	s19 =	simm.s32 $0x17080  }
0x102: {  	[tilespmem:s19], [sflag:$0x3] =	stream.indirect_vreg.gather [hbm4b:s17+s3], $0x80, v2, vm0, $0xb8;
	[tilespmem:$0x18080] =	vst v63  }
0x103: {  	s19 =	simm.s32 $0x17880  }
0x104: {  	[tilespmem:s19], [sflag:$0x3] =	stream.indirect_vreg.gather [hbm4b:s18+s3], $0x80, v2, vm0, $0xb8;
	[tilespmem:$0x18080] =	vst v63  }
0x105: {  	_ =	swait.ge [sflag:s28], $0x8000  }
0x106: {  	[sflag:s28] =	ssyncset.done $0x0  }
0x107: {  	[sflag:s28] =	ssyncadd.s32 $0xFFFF8000  }
0x108: {  	v2 =	vld.msk [tilespmem:$0x30], $0xff;
	_ =	sdelay $0x4  }
0x109: {  	v3 =	vshll.u32 v2, $0x5  }
0x10a: {  	v2 =	vand.u32 $0x7, v2;
	v3 =	vand.u32 $0xFFFFFF00, v3  }
0x10b: {  	v2 =	vor.u32 v2, v3  }
0x10c: {  	v2 =	vperm.xlane v2, v0;
	_ =	sdelay $0x1  }
0x10d: {  	v2 =	vadd.s32 v1, v2;
	_ =	sdelay $0x3  }
0x10e: {  	s19 =	simm.s32 $0x80  }
0x10f: {  	[tilespmem:s19], [sflag:$0x1] =	stream.indirect_vreg.gather [hbm4b:s2+s3], $0x80, v2, vm0, $0xb8;
	[tilespmem:$0x18080] =	vst v63  }
0x110: {  	s19 =	simm.s32 $0x880  }
0x111: {  	[tilespmem:s19], [sflag:$0x1] =	stream.indirect_vreg.gather [hbm4b:s4+s3], $0x80, v2, vm0, $0xb8;
	[tilespmem:$0x18080] =	vst v63  }
0x112: {  	s19 =	simm.s32 $0x1080  }
0x113: {  	[tilespmem:s19], [sflag:$0x1] =	stream.indirect_vreg.gather [hbm4b:s5+s3], $0x80, v2, vm0, $0xb8;
	[tilespmem:$0x18080] =	vst v63  }
0x114: {  	s19 =	simm.s32 $0x1880  }
0x115: {  	[tilespmem:s19], [sflag:$0x1] =	stream.indirect_vreg.gather [hbm4b:s6+s3], $0x80, v2, vm0, $0xb8;
	[tilespmem:$0x18080] =	vst v63  }
0x116: {  	_ = 	snop  }
0x117: {  	[tilespmem:s22], [sflag:$0x1] =	stream.indirect_vreg.gather [hbm4b:s7+s3], $0x80, v2, vm0, $0xb8;
	[tilespmem:$0x18080] =	vst v63  }
0x118: {  	_ = 	snop  }
0x119: {  	[tilespmem:s23], [sflag:$0x1] =	stream.indirect_vreg.gather [hbm4b:s8+s3], $0x80, v2, vm0, $0xb8;
	[tilespmem:$0x18080] =	vst v63  }
0x11a: {  	_ = 	snop  }
0x11b: {  	[tilespmem:s24], [sflag:$0x1] =	stream.indirect_vreg.gather [hbm4b:s9+s3], $0x80, v2, vm0, $0xb8;
	[tilespmem:$0x18080] =	vst v63  }
0x11c: {  	_ = 	snop  }
0x11d: {  	[tilespmem:s25], [sflag:$0x1] =	stream.indirect_vreg.gather [hbm4b:s10+s3], $0x80, v2, vm0, $0xb8;
	[tilespmem:$0x18080] =	vst v63  }
0x11e: {  	_ = 	snop  }
0x11f: {  	[tilespmem:s26], [sflag:$0x1] =	stream.indirect_vreg.gather [hbm4b:s11+s3], $0x80, v2, vm0, $0xb8;
	[tilespmem:$0x18080] =	vst v63  }
0x120: {  	_ = 	snop  }
0x121: {  	[tilespmem:s21], [sflag:$0x1] =	stream.indirect_vreg.gather [hbm4b:s12+s3], $0x80, v2, vm0, $0xb8;
	[tilespmem:$0x18080] =	vst v63  }
0x122: {  	_ = 	snop  }
0x123: {  	[tilespmem:s20], [sflag:$0x1] =	stream.indirect_vreg.gather [hbm4b:s13+s3], $0x80, v2, vm0, $0xb8;
	[tilespmem:$0x18080] =	vst v63  }
0x124: {  	s19 =	simm.s32 $0x5880  }
0x125: {  	[tilespmem:s19], [sflag:$0x1] =	stream.indirect_vreg.gather [hbm4b:s14+s3], $0x80, v2, vm0, $0xb8;
	[tilespmem:$0x18080] =	vst v63  }
0x126: {  	_ = 	snop  }
0x127: {  	[tilespmem:s31], [sflag:$0x1] =	stream.indirect_vreg.gather [hbm4b:s15+s3], $0x80, v2, vm0, $0xb8;
	[tilespmem:$0x18080] =	vst v63  }
0x128: {  	s19 =	simm.s32 $0x6880  }
0x129: {  	[tilespmem:s19], [sflag:$0x1] =	stream.indirect_vreg.gather [hbm4b:s16+s3], $0x80, v2, vm0, $0xb8;
	[tilespmem:$0x18080] =	vst v63  }
0x12a: {  	s19 =	simm.s32 $0x7080  }
0x12b: {  	[tilespmem:s19], [sflag:$0x1] =	stream.indirect_vreg.gather [hbm4b:s17+s3], $0x80, v2, vm0, $0xb8;
	[tilespmem:$0x18080] =	vst v63  }
0x12c: {  	s19 =	simm.s32 $0x7880  }
0x12d: {  	[tilespmem:s19], [sflag:$0x1] =	stream.indirect_vreg.gather [hbm4b:s18+s3], $0x80, v2, vm0, $0xb8;
	[tilespmem:$0x18080] =	vst v63  }
0x12e: {  	_ =	swait.ge [sflag:s29], $0x8000  }
0x12f: {  	[sflag:s29] =	ssyncset.done $0x0  }
0x130: {  	[sflag:s29] =	ssyncadd.s32 $0xFFFF8000  }
0x131: {  	v2 =	vld.msk [tilespmem:$0x38], $0xff;
	_ =	sdelay $0x4  }
0x132: {  	v3 =	vshll.u32 v2, $0x5  }
0x133: {  	v2 =	vand.u32 $0x7, v2;
	v3 =	vand.u32 $0xFFFFFF00, v3  }
0x134: {  	v2 =	vor.u32 v2, v3  }
0x135: {  	v2 =	vperm.xlane v2, v0;
	_ =	sdelay $0x1  }
0x136: {  	v2 =	vadd.s32 v1, v2;
	_ =	sdelay $0x3  }
0x137: {  	s19 =	simm.s32 $0x8080  }
0x138: {  	[tilespmem:s19], [sflag:$0x2] =	stream.indirect_vreg.gather [hbm4b:s2+s3], $0x80, v2, vm0, $0xb8;
	[tilespmem:$0x18080] =	vst v63  }
0x139: {  	_ = 	snop  }
0x13a: {  	[tilespmem:s1], [sflag:$0x2] =	stream.indirect_vreg.gather [hbm4b:s4+s3], $0x80, v2, vm0, $0xb8;
	[tilespmem:$0x18080] =	vst v63  }
0x13b: {  	s1 =	simm.s32 $0x9080  }
0x13c: {  	[tilespmem:s1], [sflag:$0x2] =	stream.indirect_vreg.gather [hbm4b:s5+s3], $0x80, v2, vm0, $0xb8;
	[tilespmem:$0x18080] =	vst v63  }
0x13d: {  	s1 =	simm.s32 $0x9880  }
0x13e: {  	[tilespmem:s1], [sflag:$0x2] =	stream.indirect_vreg.gather [hbm4b:s6+s3], $0x80, v2, vm0, $0xb8;
	[tilespmem:$0x18080] =	vst v63  }
0x13f: {  	s1 =	simm.s32 $0xA080  }
0x140: {  	[tilespmem:s1], [sflag:$0x2] =	stream.indirect_vreg.gather [hbm4b:s7+s3], $0x80, v2, vm0, $0xb8;
	[tilespmem:$0x18080] =	vst v63  }
0x141: {  	s1 =	simm.s32 $0xA880  }
0x142: {  	[tilespmem:s1], [sflag:$0x2] =	stream.indirect_vreg.gather [hbm4b:s8+s3], $0x80, v2, vm0, $0xb8;
	[tilespmem:$0x18080] =	vst v63  }
0x143: {  	s1 =	simm.s32 $0xB080  }
0x144: {  	[tilespmem:s1], [sflag:$0x2] =	stream.indirect_vreg.gather [hbm4b:s9+s3], $0x80, v2, vm0, $0xb8;
	[tilespmem:$0x18080] =	vst v63  }
0x145: {  	s1 =	simm.s32 $0xB880  }
0x146: {  	[tilespmem:s1], [sflag:$0x2] =	stream.indirect_vreg.gather [hbm4b:s10+s3], $0x80, v2, vm0, $0xb8;
	[tilespmem:$0x18080] =	vst v63  }
0x147: {  	s1 =	simm.s32 $0xC080  }
0x148: {  	[tilespmem:s1], [sflag:$0x2] =	stream.indirect_vreg.gather [hbm4b:s11+s3], $0x80, v2, vm0, $0xb8;
	[tilespmem:$0x18080] =	vst v63  }
0x149: {  	s1 =	simm.s32 $0xC880  }
0x14a: {  	[tilespmem:s1], [sflag:$0x2] =	stream.indirect_vreg.gather [hbm4b:s12+s3], $0x80, v2, vm0, $0xb8;
	[tilespmem:$0x18080] =	vst v63  }
0x14b: {  	s1 =	simm.s32 $0xD080  }
0x14c: {  	[tilespmem:s1], [sflag:$0x2] =	stream.indirect_vreg.gather [hbm4b:s13+s3], $0x80, v2, vm0, $0xb8;
	[tilespmem:$0x18080] =	vst v63  }
0x14d: {  	s1 =	simm.s32 $0xD880  }
0x14e: {  	[tilespmem:s1], [sflag:$0x2] =	stream.indirect_vreg.gather [hbm4b:s14+s3], $0x80, v2, vm0, $0xb8;
	[tilespmem:$0x18080] =	vst v63  }
0x14f: {  	s1 =	simm.s32 $0xE080  }
0x150: {  	[tilespmem:s1], [sflag:$0x2] =	stream.indirect_vreg.gather [hbm4b:s15+s3], $0x80, v2, vm0, $0xb8;
	[tilespmem:$0x18080] =	vst v63  }
0x151: {  	s1 =	simm.s32 $0xE880  }
0x152: {  	[tilespmem:s1], [sflag:$0x2] =	stream.indirect_vreg.gather [hbm4b:s16+s3], $0x80, v2, vm0, $0xb8;
	[tilespmem:$0x18080] =	vst v63  }
0x153: {  	s1 =	simm.s32 $0xF080  }
0x154: {  	[tilespmem:s1], [sflag:$0x2] =	stream.indirect_vreg.gather [hbm4b:s17+s3], $0x80, v2, vm0, $0xb8;
	[tilespmem:$0x18080] =	vst v63  }
0x155: {  	s1 =	simm.s32 $0xF880  }
0x156: {  	[tilespmem:s1], [sflag:$0x2] =	stream.indirect_vreg.gather [hbm4b:s18+s3], $0x80, v2, vm0, $0xb8;
	[tilespmem:$0x18080] =	vst v63  }
0x157: {  	_ =	swait.ge [sflag:s30], $0x8000  }
0x158: {  	[sflag:s30] =	ssyncset.done $0x0  }
0x159: {  	[sflag:s30] =	ssyncadd.s32 $0xFFFF8000  }
0x15a: {  	v2 =	vld.msk [tilespmem:$0x40], $0xff;
	_ =	sdelay $0x4  }
0x15b: {  	v3 =	vshll.u32 v2, $0x5  }
0x15c: {  	v2 =	vand.u32 $0x7, v2;
	v3 =	vand.u32 $0xFFFFFF00, v3  }
0x15d: {  	v2 =	vor.u32 v2, v3  }
0x15e: {  	v2 =	vperm.xlane v2, v0;
	_ =	sdelay $0x1  }
0x15f: {  	v2 =	vadd.s32 v1, v2;
	_ =	sdelay $0x3  }
0x160: {  	s1 =	simm.s32 $0x10080  }
0x161: {  	[tilespmem:s1], [sflag:$0x3] =	stream.indirect_vreg.gather [hbm4b:s2+s3], $0x80, v2, vm0, $0xb8;
	[tilespmem:$0x18080] =	vst v63  }
0x162: {  	_ = 	snop  }
0x163: {  	[tilespmem:s0], [sflag:$0x3] =	stream.indirect_vreg.gather [hbm4b:s4+s3], $0x80, v2, vm0, $0xb8;
	[tilespmem:$0x18080] =	vst v63  }
0x164: {  	s0 =	simm.s32 $0x11080  }
0x165: {  	[tilespmem:s0], [sflag:$0x3] =	stream.indirect_vreg.gather [hbm4b:s5+s3], $0x80, v2, vm0, $0xb8;
	[tilespmem:$0x18080] =	vst v63  }
0x166: {  	s0 =	simm.s32 $0x11880  }
0x167: {  	[tilespmem:s0], [sflag:$0x3] =	stream.indirect_vreg.gather [hbm4b:s6+s3], $0x80, v2, vm0, $0xb8;
	[tilespmem:$0x18080] =	vst v63  }
0x168: {  	s0 =	simm.s32 $0x12080  }
0x169: {  	[tilespmem:s0], [sflag:$0x3] =	stream.indirect_vreg.gather [hbm4b:s7+s3], $0x80, v2, vm0, $0xb8;
	[tilespmem:$0x18080] =	vst v63  }
0x16a: {  	s0 =	simm.s32 $0x12880  }
0x16b: {  	[tilespmem:s0], [sflag:$0x3] =	stream.indirect_vreg.gather [hbm4b:s8+s3], $0x80, v2, vm0, $0xb8;
	[tilespmem:$0x18080] =	vst v63  }
0x16c: {  	s0 =	simm.s32 $0x13080  }
0x16d: {  	[tilespmem:s0], [sflag:$0x3] =	stream.indirect_vreg.gather [hbm4b:s9+s3], $0x80, v2, vm0, $0xb8;
	[tilespmem:$0x18080] =	vst v63  }
0x16e: {  	s0 =	simm.s32 $0x13880  }
0x16f: {  	[tilespmem:s0], [sflag:$0x3] =	stream.indirect_vreg.gather [hbm4b:s10+s3], $0x80, v2, vm0, $0xb8;
	[tilespmem:$0x18080] =	vst v63  }
0x170: {  	s0 =	simm.s32 $0x14080  }
0x171: {  	[tilespmem:s0], [sflag:$0x3] =	stream.indirect_vreg.gather [hbm4b:s11+s3], $0x80, v2, vm0, $0xb8;
	[tilespmem:$0x18080] =	vst v63  }
0x172: {  	s0 =	simm.s32 $0x14880  }
0x173: {  	[tilespmem:s0], [sflag:$0x3] =	stream.indirect_vreg.gather [hbm4b:s12+s3], $0x80, v2, vm0, $0xb8;
	[tilespmem:$0x18080] =	vst v63  }
0x174: {  	s0 =	simm.s32 $0x15080  }
0x175: {  	[tilespmem:s0], [sflag:$0x3] =	stream.indirect_vreg.gather [hbm4b:s13+s3], $0x80, v2, vm0, $0xb8;
	[tilespmem:$0x18080] =	vst v63  }
0x176: {  	s0 =	simm.s32 $0x15880  }
0x177: {  	[tilespmem:s0], [sflag:$0x3] =	stream.indirect_vreg.gather [hbm4b:s14+s3], $0x80, v2, vm0, $0xb8;
	[tilespmem:$0x18080] =	vst v63  }
0x178: {  	s0 =	simm.s32 $0x16080  }
0x179: {  	[tilespmem:s0], [sflag:$0x3] =	stream.indirect_vreg.gather [hbm4b:s15+s3], $0x80, v2, vm0, $0xb8;
	[tilespmem:$0x18080] =	vst v63  }
0x17a: {  	s0 =	simm.s32 $0x16880  }
0x17b: {  	[tilespmem:s0], [sflag:$0x3] =	stream.indirect_vreg.gather [hbm4b:s16+s3], $0x80, v2, vm0, $0xb8;
	[tilespmem:$0x18080] =	vst v63  }
0x17c: {  	s0 =	simm.s32 $0x17080  }
0x17d: {  	[tilespmem:s0], [sflag:$0x3] =	stream.indirect_vreg.gather [hbm4b:s17+s3], $0x80, v2, vm0, $0xb8;
	[tilespmem:$0x18080] =	vst v63  }
0x17e: {  	s0 =	simm.s32 $0x17880  }
0x17f: {  	[tilespmem:s0], [sflag:$0x3] =	stream.indirect_vreg.gather [hbm4b:s18+s3], $0x80, v2, vm0, $0xb8;
	[tilespmem:$0x18080] =	vst v63  }
0x180: {  	_ =	swait.ge [sflag:s28], $0x8000  }
0x181: {  	[sflag:s28] =	ssyncset.done $0x0  }
0x182: {  	[sflag:s28] =	ssyncadd.s32 $0xFFFF8000  }
0x183: {  	v2 =	vld.msk [tilespmem:$0x48], $0xff;
	_ =	sdelay $0x4  }
0x184: {  	v3 =	vshll.u32 v2, $0x5  }
0x185: {  	v2 =	vand.u32 $0x7, v2;
	v3 =	vand.u32 $0xFFFFFF00, v3  }
0x186: {  	v2 =	vor.u32 v2, v3  }
0x187: {  	v2 =	vperm.xlane v2, v0;
	_ =	sdelay $0x1  }
0x188: {  	v2 =	vadd.s32 v1, v2;
	_ =	sdelay $0x3  }
0x189: {  	s0 =	simm.s32 $0x80  }
0x18a: {  	[tilespmem:s0], [sflag:$0x1] =	stream.indirect_vreg.gather [hbm4b:s2+s3], $0x80, v2, vm0, $0xb8;
	[tilespmem:$0x18080] =	vst v63  }
0x18b: {  	s0 =	simm.s32 $0x880  }
0x18c: {  	[tilespmem:s0], [sflag:$0x1] =	stream.indirect_vreg.gather [hbm4b:s4+s3], $0x80, v2, vm0, $0xb8;
	[tilespmem:$0x18080] =	vst v63  }
0x18d: {  	s0 =	simm.s32 $0x1080  }
0x18e: {  	[tilespmem:s0], [sflag:$0x1] =	stream.indirect_vreg.gather [hbm4b:s5+s3], $0x80, v2, vm0, $0xb8;
	[tilespmem:$0x18080] =	vst v63  }
0x18f: {  	s0 =	simm.s32 $0x1880  }
0x190: {  	[tilespmem:s0], [sflag:$0x1] =	stream.indirect_vreg.gather [hbm4b:s6+s3], $0x80, v2, vm0, $0xb8;
	[tilespmem:$0x18080] =	vst v63  }
0x191: {  	s22 =	simm.s32 $0x2080  }
0x192: {  	[tilespmem:s22], [sflag:$0x1] =	stream.indirect_vreg.gather [hbm4b:s7+s3], $0x80, v2, vm0, $0xb8;
	[tilespmem:$0x18080] =	vst v63  }
0x193: {  	s23 =	simm.s32 $0x2880  }
0x194: {  	[tilespmem:s23], [sflag:$0x1] =	stream.indirect_vreg.gather [hbm4b:s8+s3], $0x80, v2, vm0, $0xb8;
	[tilespmem:$0x18080] =	vst v63  }
0x195: {  	s24 =	simm.s32 $0x3080  }
0x196: {  	[tilespmem:s24], [sflag:$0x1] =	stream.indirect_vreg.gather [hbm4b:s9+s3], $0x80, v2, vm0, $0xb8;
	[tilespmem:$0x18080] =	vst v63  }
0x197: {  	s25 =	simm.s32 $0x3880  }
0x198: {  	[tilespmem:s25], [sflag:$0x1] =	stream.indirect_vreg.gather [hbm4b:s10+s3], $0x80, v2, vm0, $0xb8;
	[tilespmem:$0x18080] =	vst v63  }
0x199: {  	s26 =	simm.s32 $0x4080  }
0x19a: {  	[tilespmem:s26], [sflag:$0x1] =	stream.indirect_vreg.gather [hbm4b:s11+s3], $0x80, v2, vm0, $0xb8;
	[tilespmem:$0x18080] =	vst v63  }
0x19b: {  	s21 =	simm.s32 $0x4880  }
0x19c: {  	[tilespmem:s21], [sflag:$0x1] =	stream.indirect_vreg.gather [hbm4b:s12+s3], $0x80, v2, vm0, $0xb8;
	[tilespmem:$0x18080] =	vst v63  }
0x19d: {  	s20 =	simm.s32 $0x5080  }
0x19e: {  	[tilespmem:s20], [sflag:$0x1] =	stream.indirect_vreg.gather [hbm4b:s13+s3], $0x80, v2, vm0, $0xb8;
	[tilespmem:$0x18080] =	vst v63  }
0x19f: {  	s22 =	simm.s32 $0x5880  }
0x1a0: {  	[tilespmem:s22], [sflag:$0x1] =	stream.indirect_vreg.gather [hbm4b:s14+s3], $0x80, v2, vm0, $0xb8;
	[tilespmem:$0x18080] =	vst v63  }
0x1a1: {  	s31 =	simm.s32 $0x6080  }
0x1a2: {  	[tilespmem:s31], [sflag:$0x1] =	stream.indirect_vreg.gather [hbm4b:s15+s3], $0x80, v2, vm0, $0xb8;
	[tilespmem:$0x18080] =	vst v63  }
0x1a3: {  	s23 =	simm.s32 $0x6880  }
0x1a4: {  	[tilespmem:s23], [sflag:$0x1] =	stream.indirect_vreg.gather [hbm4b:s16+s3], $0x80, v2, vm0, $0xb8;
	[tilespmem:$0x18080] =	vst v63  }
0x1a5: {  	s24 =	simm.s32 $0x7080  }
0x1a6: {  	[tilespmem:s24], [sflag:$0x1] =	stream.indirect_vreg.gather [hbm4b:s17+s3], $0x80, v2, vm0, $0xb8;
	[tilespmem:$0x18080] =	vst v63  }
0x1a7: {  	s25 =	simm.s32 $0x7880  }
0x1a8: {  	[tilespmem:s25], [sflag:$0x1] =	stream.indirect_vreg.gather [hbm4b:s18+s3], $0x80, v2, vm0, $0xb8;
	[tilespmem:$0x18080] =	vst v63  }
0x1a9: {  	_ =	swait.ge [sflag:s29], $0x8000  }
0x1aa: {  	[sflag:s29] =	ssyncset.done $0x0  }
0x1ab: {  	[sflag:s29] =	ssyncadd.s32 $0xFFFF8000  }
0x1ac: {  	v2 =	vld.msk [tilespmem:$0x50], $0xff;
	_ =	sdelay $0x4  }
0x1ad: {  	v3 =	vshll.u32 v2, $0x5  }
0x1ae: {  	v2 =	vand.u32 $0x7, v2;
	v3 =	vand.u32 $0xFFFFFF00, v3  }
0x1af: {  	v2 =	vor.u32 v2, v3  }
0x1b0: {  	v2 =	vperm.xlane v2, v0;
	_ =	sdelay $0x1  }
0x1b1: {  	v2 =	vadd.s32 v1, v2;
	_ =	sdelay $0x3  }
0x1b2: {  	s19 =	simm.s32 $0x8080  }
0x1b3: {  	[tilespmem:s19], [sflag:$0x2] =	stream.indirect_vreg.gather [hbm4b:s2+s3], $0x80, v2, vm0, $0xb8;
	[tilespmem:$0x18080] =	vst v63  }
0x1b4: {  	s26 =	simm.s32 $0x8880  }
0x1b5: {  	[tilespmem:s26], [sflag:$0x2] =	stream.indirect_vreg.gather [hbm4b:s4+s3], $0x80, v2, vm0, $0xb8;
	[tilespmem:$0x18080] =	vst v63  }
0x1b6: {  	s31 =	simm.s32 $0x9080  }
0x1b7: {  	[tilespmem:s31], [sflag:$0x2] =	stream.indirect_vreg.gather [hbm4b:s5+s3], $0x80, v2, vm0, $0xb8;
	[tilespmem:$0x18080] =	vst v63  }
0x1b8: {  	s0 =	simm.s32 $0x9880  }
0x1b9: {  	[tilespmem:s0], [sflag:$0x2] =	stream.indirect_vreg.gather [hbm4b:s6+s3], $0x80, v2, vm0, $0xb8;
	[tilespmem:$0x18080] =	vst v63  }
0x1ba: {  	s20 =	simm.s32 $0xA080  }
0x1bb: {  	[tilespmem:s20], [sflag:$0x2] =	stream.indirect_vreg.gather [hbm4b:s7+s3], $0x80, v2, vm0, $0xb8;
	[tilespmem:$0x18080] =	vst v63  }
0x1bc: {  	s21 =	simm.s32 $0xA880  }
0x1bd: {  	[tilespmem:s21], [sflag:$0x2] =	stream.indirect_vreg.gather [hbm4b:s8+s3], $0x80, v2, vm0, $0xb8;
	[tilespmem:$0x18080] =	vst v63  }
0x1be: {  	s22 =	simm.s32 $0xB080  }
0x1bf: {  	[tilespmem:s22], [sflag:$0x2] =	stream.indirect_vreg.gather [hbm4b:s9+s3], $0x80, v2, vm0, $0xb8;
	[tilespmem:$0x18080] =	vst v63  }
0x1c0: {  	s23 =	simm.s32 $0xB880  }
0x1c1: {  	[tilespmem:s23], [sflag:$0x2] =	stream.indirect_vreg.gather [hbm4b:s10+s3], $0x80, v2, vm0, $0xb8;
	[tilespmem:$0x18080] =	vst v63  }
0x1c2: {  	s24 =	simm.s32 $0xC080  }
0x1c3: {  	[tilespmem:s24], [sflag:$0x2] =	stream.indirect_vreg.gather [hbm4b:s11+s3], $0x80, v2, vm0, $0xb8;
	[tilespmem:$0x18080] =	vst v63  }
0x1c4: {  	s25 =	simm.s32 $0xC880  }
0x1c5: {  	[tilespmem:s25], [sflag:$0x2] =	stream.indirect_vreg.gather [hbm4b:s12+s3], $0x80, v2, vm0, $0xb8;
	[tilespmem:$0x18080] =	vst v63  }
0x1c6: {  	s26 =	simm.s32 $0xD080  }
0x1c7: {  	[tilespmem:s26], [sflag:$0x2] =	stream.indirect_vreg.gather [hbm4b:s13+s3], $0x80, v2, vm0, $0xb8;
	[tilespmem:$0x18080] =	vst v63  }
0x1c8: {  	s31 =	simm.s32 $0xD880  }
0x1c9: {  	[tilespmem:s31], [sflag:$0x2] =	stream.indirect_vreg.gather [hbm4b:s14+s3], $0x80, v2, vm0, $0xb8;
	[tilespmem:$0x18080] =	vst v63  }
0x1ca: {  	s0 =	simm.s32 $0xE080  }
0x1cb: {  	[tilespmem:s0], [sflag:$0x2] =	stream.indirect_vreg.gather [hbm4b:s15+s3], $0x80, v2, vm0, $0xb8;
	[tilespmem:$0x18080] =	vst v63  }
0x1cc: {  	s20 =	simm.s32 $0xE880  }
0x1cd: {  	[tilespmem:s20], [sflag:$0x2] =	stream.indirect_vreg.gather [hbm4b:s16+s3], $0x80, v2, vm0, $0xb8;
	[tilespmem:$0x18080] =	vst v63  }
0x1ce: {  	s21 =	simm.s32 $0xF080  }
0x1cf: {  	[tilespmem:s21], [sflag:$0x2] =	stream.indirect_vreg.gather [hbm4b:s17+s3], $0x80, v2, vm0, $0xb8;
	[tilespmem:$0x18080] =	vst v63  }
0x1d0: {  	s22 =	simm.s32 $0xF880  }
0x1d1: {  	[tilespmem:s22], [sflag:$0x2] =	stream.indirect_vreg.gather [hbm4b:s18+s3], $0x80, v2, vm0, $0xb8;
	[tilespmem:$0x18080] =	vst v63  }
0x1d2: {  	_ =	swait.ge [sflag:s30], $0x8000  }
0x1d3: {  	[sflag:s30] =	ssyncset.done $0x0  }
0x1d4: {  	[sflag:s30] =	ssyncadd.s32 $0xFFFF8000  }
0x1d5: {  	v2 =	vld.msk [tilespmem:$0x58], $0xff;
	_ =	sdelay $0x4  }
0x1d6: {  	v3 =	vshll.u32 v2, $0x5  }
0x1d7: {  	v2 =	vand.u32 $0x7, v2;
	v3 =	vand.u32 $0xFFFFFF00, v3  }
0x1d8: {  	v2 =	vor.u32 v2, v3  }
0x1d9: {  	v2 =	vperm.xlane v2, v0;
	_ =	sdelay $0x1  }
0x1da: {  	v2 =	vadd.s32 v1, v2;
	_ =	sdelay $0x3  }
0x1db: {  	s1 =	simm.s32 $0x10080  }
0x1dc: {  	[tilespmem:s1], [sflag:$0x3] =	stream.indirect_vreg.gather [hbm4b:s2+s3], $0x80, v2, vm0, $0xb8;
	[tilespmem:$0x18080] =	vst v63  }
0x1dd: {  	s23 =	simm.s32 $0x10880  }
0x1de: {  	[tilespmem:s23], [sflag:$0x3] =	stream.indirect_vreg.gather [hbm4b:s4+s3], $0x80, v2, vm0, $0xb8;
	[tilespmem:$0x18080] =	vst v63  }
0x1df: {  	s24 =	simm.s32 $0x11080  }
0x1e0: {  	[tilespmem:s24], [sflag:$0x3] =	stream.indirect_vreg.gather [hbm4b:s5+s3], $0x80, v2, vm0, $0xb8;
	[tilespmem:$0x18080] =	vst v63  }
0x1e1: {  	s25 =	simm.s32 $0x11880  }
0x1e2: {  	[tilespmem:s25], [sflag:$0x3] =	stream.indirect_vreg.gather [hbm4b:s6+s3], $0x80, v2, vm0, $0xb8;
	[tilespmem:$0x18080] =	vst v63  }
0x1e3: {  	s26 =	simm.s32 $0x12080  }
0x1e4: {  	[tilespmem:s26], [sflag:$0x3] =	stream.indirect_vreg.gather [hbm4b:s7+s3], $0x80, v2, vm0, $0xb8;
	[tilespmem:$0x18080] =	vst v63  }
0x1e5: {  	s31 =	simm.s32 $0x12880  }
0x1e6: {  	[tilespmem:s31], [sflag:$0x3] =	stream.indirect_vreg.gather [hbm4b:s8+s3], $0x80, v2, vm0, $0xb8;
	[tilespmem:$0x18080] =	vst v63  }
0x1e7: {  	s0 =	simm.s32 $0x13080  }
0x1e8: {  	[tilespmem:s0], [sflag:$0x3] =	stream.indirect_vreg.gather [hbm4b:s9+s3], $0x80, v2, vm0, $0xb8;
	[tilespmem:$0x18080] =	vst v63  }
0x1e9: {  	s1 =	simm.s32 $0x13880  }
0x1ea: {  	[tilespmem:s1], [sflag:$0x3] =	stream.indirect_vreg.gather [hbm4b:s10+s3], $0x80, v2, vm0, $0xb8;
	[tilespmem:$0x18080] =	vst v63  }
0x1eb: {  	s20 =	simm.s32 $0x14080  }
0x1ec: {  	[tilespmem:s20], [sflag:$0x3] =	stream.indirect_vreg.gather [hbm4b:s11+s3], $0x80, v2, vm0, $0xb8;
	[tilespmem:$0x18080] =	vst v63  }
0x1ed: {  	s21 =	simm.s32 $0x14880  }
0x1ee: {  	[tilespmem:s21], [sflag:$0x3] =	stream.indirect_vreg.gather [hbm4b:s12+s3], $0x80, v2, vm0, $0xb8;
	[tilespmem:$0x18080] =	vst v63  }
0x1ef: {  	s22 =	simm.s32 $0x15080  }
0x1f0: {  	[tilespmem:s22], [sflag:$0x3] =	stream.indirect_vreg.gather [hbm4b:s13+s3], $0x80, v2, vm0, $0xb8;
	[tilespmem:$0x18080] =	vst v63  }
0x1f1: {  	s0 =	simm.s32 $0x15880  }
0x1f2: {  	[tilespmem:s0], [sflag:$0x3] =	stream.indirect_vreg.gather [hbm4b:s14+s3], $0x80, v2, vm0, $0xb8;
	[tilespmem:$0x18080] =	vst v63  }
0x1f3: {  	s23 =	simm.s32 $0x16080  }
0x1f4: {  	[tilespmem:s23], [sflag:$0x3] =	stream.indirect_vreg.gather [hbm4b:s15+s3], $0x80, v2, vm0, $0xb8;
	[tilespmem:$0x18080] =	vst v63  }
0x1f5: {  	s24 =	simm.s32 $0x16880  }
0x1f6: {  	[tilespmem:s24], [sflag:$0x3] =	stream.indirect_vreg.gather [hbm4b:s16+s3], $0x80, v2, vm0, $0xb8;
	[tilespmem:$0x18080] =	vst v63  }
0x1f7: {  	s25 =	simm.s32 $0x17080  }
0x1f8: {  	[tilespmem:s25], [sflag:$0x3] =	stream.indirect_vreg.gather [hbm4b:s17+s3], $0x80, v2, vm0, $0xb8;
	[tilespmem:$0x18080] =	vst v63  }
0x1f9: {  	s26 =	simm.s32 $0x17880  }
0x1fa: {  	[tilespmem:s26], [sflag:$0x3] =	stream.indirect_vreg.gather [hbm4b:s18+s3], $0x80, v2, vm0, $0xb8;
	[tilespmem:$0x18080] =	vst v63  }
0x1fb: {  	_ =	swait.ge [sflag:s28], $0x8000  }
0x1fc: {  	[sflag:s28] =	ssyncset.done $0x0  }
0x1fd: {  	[sflag:s28] =	ssyncadd.s32 $0xFFFF8000  }
0x1fe: {  	v2 =	vld.msk [tilespmem:$0x60], $0xff;
	_ =	sdelay $0x4  }
0x1ff: {  	v3 =	vshll.u32 v2, $0x5  }
0x200: {  	v2 =	vand.u32 $0x7, v2;
	v3 =	vand.u32 $0xFFFFFF00, v3  }
0x201: {  	v2 =	vor.u32 v2, v3  }
0x202: {  	v2 =	vperm.xlane v2, v0;
	_ =	sdelay $0x1  }
0x203: {  	v2 =	vadd.s32 v1, v2;
	_ =	sdelay $0x3  }
0x204: {  	s31 =	simm.s32 $0x80  }
0x205: {  	[tilespmem:s31], [sflag:$0x1] =	stream.indirect_vreg.gather [hbm4b:s2+s3], $0x80, v2, vm0, $0xb8;
	[tilespmem:$0x18080] =	vst v63  }
0x206: {  	s21 =	simm.s32 $0x880  }
0x207: {  	[tilespmem:s21], [sflag:$0x1] =	stream.indirect_vreg.gather [hbm4b:s4+s3], $0x80, v2, vm0, $0xb8;
	[tilespmem:$0x18080] =	vst v63  }
0x208: {  	s22 =	simm.s32 $0x1080  }
0x209: {  	[tilespmem:s22], [sflag:$0x1] =	stream.indirect_vreg.gather [hbm4b:s5+s3], $0x80, v2, vm0, $0xb8;
	[tilespmem:$0x18080] =	vst v63  }
0x20a: {  	s23 =	simm.s32 $0x1880  }
0x20b: {  	[tilespmem:s23], [sflag:$0x1] =	stream.indirect_vreg.gather [hbm4b:s6+s3], $0x80, v2, vm0, $0xb8;
	[tilespmem:$0x18080] =	vst v63  }
0x20c: {  	s24 =	simm.s32 $0x2080  }
0x20d: {  	[tilespmem:s24], [sflag:$0x1] =	stream.indirect_vreg.gather [hbm4b:s7+s3], $0x80, v2, vm0, $0xb8;
	[tilespmem:$0x18080] =	vst v63  }
0x20e: {  	s25 =	simm.s32 $0x2880  }
0x20f: {  	[tilespmem:s25], [sflag:$0x1] =	stream.indirect_vreg.gather [hbm4b:s8+s3], $0x80, v2, vm0, $0xb8;
	[tilespmem:$0x18080] =	vst v63  }
0x210: {  	s26 =	simm.s32 $0x3080  }
0x211: {  	[tilespmem:s26], [sflag:$0x1] =	stream.indirect_vreg.gather [hbm4b:s9+s3], $0x80, v2, vm0, $0xb8;
	[tilespmem:$0x18080] =	vst v63  }
0x212: {  	s31 =	simm.s32 $0x3880  }
0x213: {  	[tilespmem:s31], [sflag:$0x1] =	stream.indirect_vreg.gather [hbm4b:s10+s3], $0x80, v2, vm0, $0xb8;
	[tilespmem:$0x18080] =	vst v63  }
0x214: {  	s20 =	simm.s32 $0x4080  }
0x215: {  	[tilespmem:s20], [sflag:$0x1] =	stream.indirect_vreg.gather [hbm4b:s11+s3], $0x80, v2, vm0, $0xb8;
	[tilespmem:$0x18080] =	vst v63  }
0x216: {  	s20 =	simm.s32 $0x4880  }
0x217: {  	[tilespmem:s20], [sflag:$0x1] =	stream.indirect_vreg.gather [hbm4b:s12+s3], $0x80, v2, vm0, $0xb8;
	[tilespmem:$0x18080] =	vst v63  }
0x218: {  	s20 =	simm.s32 $0x5080  }
0x219: {  	[tilespmem:s20], [sflag:$0x1] =	stream.indirect_vreg.gather [hbm4b:s13+s3], $0x80, v2, vm0, $0xb8;
	[tilespmem:$0x18080] =	vst v63  }
0x21a: {  	s20 =	simm.s32 $0x5880  }
0x21b: {  	[tilespmem:s20], [sflag:$0x1] =	stream.indirect_vreg.gather [hbm4b:s14+s3], $0x80, v2, vm0, $0xb8;
	[tilespmem:$0x18080] =	vst v63  }
0x21c: {  	s20 =	simm.s32 $0x6080  }
0x21d: {  	[tilespmem:s20], [sflag:$0x1] =	stream.indirect_vreg.gather [hbm4b:s15+s3], $0x80, v2, vm0, $0xb8;
	[tilespmem:$0x18080] =	vst v63  }
0x21e: {  	s20 =	simm.s32 $0x6880  }
0x21f: {  	[tilespmem:s20], [sflag:$0x1] =	stream.indirect_vreg.gather [hbm4b:s16+s3], $0x80, v2, vm0, $0xb8;
	[tilespmem:$0x18080] =	vst v63  }
0x220: {  	s20 =	simm.s32 $0x7080  }
0x221: {  	[tilespmem:s20], [sflag:$0x1] =	stream.indirect_vreg.gather [hbm4b:s17+s3], $0x80, v2, vm0, $0xb8;
	[tilespmem:$0x18080] =	vst v63  }
0x222: {  	s20 =	simm.s32 $0x7880  }
0x223: {  	[tilespmem:s20], [sflag:$0x1] =	stream.indirect_vreg.gather [hbm4b:s18+s3], $0x80, v2, vm0, $0xb8;
	[tilespmem:$0x18080] =	vst v63  }
0x224: {  	_ =	swait.ge [sflag:s29], $0x8000  }
0x225: {  	[sflag:s29] =	ssyncset.done $0x0  }
0x226: {  	[sflag:s29] =	ssyncadd.s32 $0xFFFF8000  }
0x227: {  	v2 =	vld.msk [tilespmem:$0x68], $0xff;
	_ =	sdelay $0x4  }
0x228: {  	v3 =	vshll.u32 v2, $0x5  }
0x229: {  	v2 =	vand.u32 $0x7, v2;
	v3 =	vand.u32 $0xFFFFFF00, v3  }
0x22a: {  	v2 =	vor.u32 v2, v3  }
0x22b: {  	v2 =	vperm.xlane v2, v0;
	_ =	sdelay $0x1  }
0x22c: {  	v2 =	vadd.s32 v1, v2;
	_ =	sdelay $0x3  }
0x22d: {  	s20 =	simm.s32 $0x8080  }
0x22e: {  	[tilespmem:s20], [sflag:$0x2] =	stream.indirect_vreg.gather [hbm4b:s2+s3], $0x80, v2, vm0, $0xb8;
	[tilespmem:$0x18080] =	vst v63  }
0x22f: {  	s1 =	simm.s32 $0x8880  }
0x230: {  	[tilespmem:s1], [sflag:$0x2] =	stream.indirect_vreg.gather [hbm4b:s4+s3], $0x80, v2, vm0, $0xb8;
	[tilespmem:$0x18080] =	vst v63  }
0x231: {  	s1 =	simm.s32 $0x9080  }
0x232: {  	[tilespmem:s1], [sflag:$0x2] =	stream.indirect_vreg.gather [hbm4b:s5+s3], $0x80, v2, vm0, $0xb8;
	[tilespmem:$0x18080] =	vst v63  }
0x233: {  	s1 =	simm.s32 $0x9880  }
0x234: {  	[tilespmem:s1], [sflag:$0x2] =	stream.indirect_vreg.gather [hbm4b:s6+s3], $0x80, v2, vm0, $0xb8;
	[tilespmem:$0x18080] =	vst v63  }
0x235: {  	s1 =	simm.s32 $0xA080  }
0x236: {  	[tilespmem:s1], [sflag:$0x2] =	stream.indirect_vreg.gather [hbm4b:s7+s3], $0x80, v2, vm0, $0xb8;
	[tilespmem:$0x18080] =	vst v63  }
0x237: {  	s1 =	simm.s32 $0xA880  }
0x238: {  	[tilespmem:s1], [sflag:$0x2] =	stream.indirect_vreg.gather [hbm4b:s8+s3], $0x80, v2, vm0, $0xb8;
	[tilespmem:$0x18080] =	vst v63  }
0x239: {  	s1 =	simm.s32 $0xB080  }
0x23a: {  	[tilespmem:s1], [sflag:$0x2] =	stream.indirect_vreg.gather [hbm4b:s9+s3], $0x80, v2, vm0, $0xb8;
	[tilespmem:$0x18080] =	vst v63  }
0x23b: {  	s1 =	simm.s32 $0xB880  }
0x23c: {  	[tilespmem:s1], [sflag:$0x2] =	stream.indirect_vreg.gather [hbm4b:s10+s3], $0x80, v2, vm0, $0xb8;
	[tilespmem:$0x18080] =	vst v63  }
0x23d: {  	s1 =	simm.s32 $0xC080  }
0x23e: {  	[tilespmem:s1], [sflag:$0x2] =	stream.indirect_vreg.gather [hbm4b:s11+s3], $0x80, v2, vm0, $0xb8;
	[tilespmem:$0x18080] =	vst v63  }
0x23f: {  	s1 =	simm.s32 $0xC880  }
0x240: {  	[tilespmem:s1], [sflag:$0x2] =	stream.indirect_vreg.gather [hbm4b:s12+s3], $0x80, v2, vm0, $0xb8;
	[tilespmem:$0x18080] =	vst v63  }
0x241: {  	s1 =	simm.s32 $0xD080  }
0x242: {  	[tilespmem:s1], [sflag:$0x2] =	stream.indirect_vreg.gather [hbm4b:s13+s3], $0x80, v2, vm0, $0xb8;
	[tilespmem:$0x18080] =	vst v63  }
0x243: {  	s1 =	simm.s32 $0xD880  }
0x244: {  	[tilespmem:s1], [sflag:$0x2] =	stream.indirect_vreg.gather [hbm4b:s14+s3], $0x80, v2, vm0, $0xb8;
	[tilespmem:$0x18080] =	vst v63  }
0x245: {  	s1 =	simm.s32 $0xE080  }
0x246: {  	[tilespmem:s1], [sflag:$0x2] =	stream.indirect_vreg.gather [hbm4b:s15+s3], $0x80, v2, vm0, $0xb8;
	[tilespmem:$0x18080] =	vst v63  }
0x247: {  	s1 =	simm.s32 $0xE880  }
0x248: {  	[tilespmem:s1], [sflag:$0x2] =	stream.indirect_vreg.gather [hbm4b:s16+s3], $0x80, v2, vm0, $0xb8;
	[tilespmem:$0x18080] =	vst v63  }
0x249: {  	s1 =	simm.s32 $0xF080  }
0x24a: {  	[tilespmem:s1], [sflag:$0x2] =	stream.indirect_vreg.gather [hbm4b:s17+s3], $0x80, v2, vm0, $0xb8;
	[tilespmem:$0x18080] =	vst v63  }
0x24b: {  	s19 =	simm.s32 $0xF880  }
0x24c: {  	[tilespmem:s19], [sflag:$0x2] =	stream.indirect_vreg.gather [hbm4b:s18+s3], $0x80, v2, vm0, $0xb8;
	[tilespmem:$0x18080] =	vst v63  }
0x24d: {  	_ =	swait.ge [sflag:s30], $0x8000  }
0x24e: {  	[sflag:s30] =	ssyncset.done $0x0  }
0x24f: {  	[sflag:s30] =	ssyncadd.s32 $0xFFFF8000  }
0x250: {  	v2 =	vld.msk [tilespmem:$0x70], $0xff;
	_ =	sdelay $0x4  }
0x251: {  	v3 =	vshll.u32 v2, $0x5  }
0x252: {  	v2 =	vand.u32 $0x7, v2;
	v3 =	vand.u32 $0xFFFFFF00, v3  }
0x253: {  	v2 =	vor.u32 v2, v3  }
0x254: {  	v2 =	vperm.xlane v2, v0;
	_ =	sdelay $0x1  }
0x255: {  	v2 =	vadd.s32 v1, v2;
	_ =	sdelay $0x3  }
0x256: {  	s19 =	simm.s32 $0x10080  }
0x257: {  	[tilespmem:s19], [sflag:$0x3] =	stream.indirect_vreg.gather [hbm4b:s2+s3], $0x80, v2, vm0, $0xb8;
	[tilespmem:$0x18080] =	vst v63  }
0x258: {  	s1 =	simm.s32 $0x10880  }
0x259: {  	[tilespmem:s1], [sflag:$0x3] =	stream.indirect_vreg.gather [hbm4b:s4+s3], $0x80, v2, vm0, $0xb8;
	[tilespmem:$0x18080] =	vst v63  }
0x25a: {  	s1 =	simm.s32 $0x11080  }
0x25b: {  	[tilespmem:s1], [sflag:$0x3] =	stream.indirect_vreg.gather [hbm4b:s5+s3], $0x80, v2, vm0, $0xb8;
	[tilespmem:$0x18080] =	vst v63  }
0x25c: {  	s1 =	simm.s32 $0x11880  }
0x25d: {  	[tilespmem:s1], [sflag:$0x3] =	stream.indirect_vreg.gather [hbm4b:s6+s3], $0x80, v2, vm0, $0xb8;
	[tilespmem:$0x18080] =	vst v63  }
0x25e: {  	s1 =	simm.s32 $0x12080  }
0x25f: {  	[tilespmem:s1], [sflag:$0x3] =	stream.indirect_vreg.gather [hbm4b:s7+s3], $0x80, v2, vm0, $0xb8;
	[tilespmem:$0x18080] =	vst v63  }
0x260: {  	s1 =	simm.s32 $0x12880  }
0x261: {  	[tilespmem:s1], [sflag:$0x3] =	stream.indirect_vreg.gather [hbm4b:s8+s3], $0x80, v2, vm0, $0xb8;
	[tilespmem:$0x18080] =	vst v63  }
0x262: {  	s1 =	simm.s32 $0x13080  }
0x263: {  	[tilespmem:s1], [sflag:$0x3] =	stream.indirect_vreg.gather [hbm4b:s9+s3], $0x80, v2, vm0, $0xb8;
	[tilespmem:$0x18080] =	vst v63  }
0x264: {  	s1 =	simm.s32 $0x13880  }
0x265: {  	[tilespmem:s1], [sflag:$0x3] =	stream.indirect_vreg.gather [hbm4b:s10+s3], $0x80, v2, vm0, $0xb8;
	[tilespmem:$0x18080] =	vst v63  }
0x266: {  	s1 =	simm.s32 $0x14080  }
0x267: {  	[tilespmem:s1], [sflag:$0x3] =	stream.indirect_vreg.gather [hbm4b:s11+s3], $0x80, v2, vm0, $0xb8;
	[tilespmem:$0x18080] =	vst v63  }
0x268: {  	s1 =	simm.s32 $0x14880  }
0x269: {  	[tilespmem:s1], [sflag:$0x3] =	stream.indirect_vreg.gather [hbm4b:s12+s3], $0x80, v2, vm0, $0xb8;
	[tilespmem:$0x18080] =	vst v63  }
0x26a: {  	s1 =	simm.s32 $0x15080  }
0x26b: {  	[tilespmem:s1], [sflag:$0x3] =	stream.indirect_vreg.gather [hbm4b:s13+s3], $0x80, v2, vm0, $0xb8;
	[tilespmem:$0x18080] =	vst v63  }
0x26c: {  	_ = 	snop  }
0x26d: {  	[tilespmem:s0], [sflag:$0x3] =	stream.indirect_vreg.gather [hbm4b:s14+s3], $0x80, v2, vm0, $0xb8;
	[tilespmem:$0x18080] =	vst v63  }
0x26e: {  	s1 =	simm.s32 $0x16080  }
0x26f: {  	[tilespmem:s1], [sflag:$0x3] =	stream.indirect_vreg.gather [hbm4b:s15+s3], $0x80, v2, vm0, $0xb8;
	[tilespmem:$0x18080] =	vst v63  }
0x270: {  	s1 =	simm.s32 $0x16880  }
0x271: {  	[tilespmem:s1], [sflag:$0x3] =	stream.indirect_vreg.gather [hbm4b:s16+s3], $0x80, v2, vm0, $0xb8;
	[tilespmem:$0x18080] =	vst v63  }
0x272: {  	s1 =	simm.s32 $0x17080  }
0x273: {  	[tilespmem:s1], [sflag:$0x3] =	stream.indirect_vreg.gather [hbm4b:s17+s3], $0x80, v2, vm0, $0xb8;
	[tilespmem:$0x18080] =	vst v63  }
0x274: {  	s1 =	simm.s32 $0x17880  }
0x275: {  	[tilespmem:s1], [sflag:$0x3] =	stream.indirect_vreg.gather [hbm4b:s18+s3], $0x80, v2, vm0, $0xb8;
	[tilespmem:$0x18080] =	vst v63  }
0x276: {  	_ =	swait.ge [sflag:s28], $0x8000  }
0x277: {  	[sflag:s28] =	ssyncset.done $0x0  }
0x278: {  	[sflag:s28] =	ssyncadd.s32 $0xFFFF8000  }
0x279: {  	v2 =	vld.msk [tilespmem:$0x78], $0xff;
	_ =	sdelay $0x4  }
0x27a: {  	v3 =	vshll.u32 v2, $0x5  }
0x27b: {  	v2 =	vand.u32 $0x7, v2;
	v3 =	vand.u32 $0xFFFFFF00, v3  }
0x27c: {  	v2 =	vor.u32 v2, v3  }
0x27d: {  	v2 =	vperm.xlane v2, v0;
	_ =	sdelay $0x1  }
0x27e: {  	v2 =	vadd.s32 v1, v2;
	_ =	sdelay $0x3  }
0x27f: {  	s0 =	simm.s32 $0x80  }
0x280: {  	[tilespmem:s0], [sflag:$0x1] =	stream.indirect_vreg.gather [hbm4b:s2+s3], $0x80, v2, vm0, $0xb8;
	[tilespmem:$0x18080] =	vst v63  }
0x281: {  	_ = 	snop  }
0x282: {  	[tilespmem:s21], [sflag:$0x1] =	stream.indirect_vreg.gather [hbm4b:s4+s3], $0x80, v2, vm0, $0xb8;
	[tilespmem:$0x18080] =	vst v63  }
0x283: {  	_ = 	snop  }
0x284: {  	[tilespmem:s22], [sflag:$0x1] =	stream.indirect_vreg.gather [hbm4b:s5+s3], $0x80, v2, vm0, $0xb8;
	[tilespmem:$0x18080] =	vst v63  }
0x285: {  	_ = 	snop  }
0x286: {  	[tilespmem:s23], [sflag:$0x1] =	stream.indirect_vreg.gather [hbm4b:s6+s3], $0x80, v2, vm0, $0xb8;
	[tilespmem:$0x18080] =	vst v63  }
0x287: {  	_ = 	snop  }
0x288: {  	[tilespmem:s24], [sflag:$0x1] =	stream.indirect_vreg.gather [hbm4b:s7+s3], $0x80, v2, vm0, $0xb8;
	[tilespmem:$0x18080] =	vst v63  }
0x289: {  	_ = 	snop  }
0x28a: {  	[tilespmem:s25], [sflag:$0x1] =	stream.indirect_vreg.gather [hbm4b:s8+s3], $0x80, v2, vm0, $0xb8;
	[tilespmem:$0x18080] =	vst v63  }
0x28b: {  	_ = 	snop  }
0x28c: {  	[tilespmem:s26], [sflag:$0x1] =	stream.indirect_vreg.gather [hbm4b:s9+s3], $0x80, v2, vm0, $0xb8;
	[tilespmem:$0x18080] =	vst v63  }
0x28d: {  	_ = 	snop  }
0x28e: {  	[tilespmem:s31], [sflag:$0x1] =	stream.indirect_vreg.gather [hbm4b:s10+s3], $0x80, v2, vm0, $0xb8;
	[tilespmem:$0x18080] =	vst v63  }
0x28f: {  	s21 =	simm.s32 $0x4080  }
0x290: {  	[tilespmem:s21], [sflag:$0x1] =	stream.indirect_vreg.gather [hbm4b:s11+s3], $0x80, v2, vm0, $0xb8;
	[tilespmem:$0x18080] =	vst v63  }
0x291: {  	s22 =	simm.s32 $0x4880  }
0x292: {  	[tilespmem:s22], [sflag:$0x1] =	stream.indirect_vreg.gather [hbm4b:s12+s3], $0x80, v2, vm0, $0xb8;
	[tilespmem:$0x18080] =	vst v63  }
0x293: {  	s23 =	simm.s32 $0x5080  }
0x294: {  	[tilespmem:s23], [sflag:$0x1] =	stream.indirect_vreg.gather [hbm4b:s13+s3], $0x80, v2, vm0, $0xb8;
	[tilespmem:$0x18080] =	vst v63  }
0x295: {  	s24 =	simm.s32 $0x5880  }
0x296: {  	[tilespmem:s24], [sflag:$0x1] =	stream.indirect_vreg.gather [hbm4b:s14+s3], $0x80, v2, vm0, $0xb8;
	[tilespmem:$0x18080] =	vst v63  }
0x297: {  	s25 =	simm.s32 $0x6080  }
0x298: {  	[tilespmem:s25], [sflag:$0x1] =	stream.indirect_vreg.gather [hbm4b:s15+s3], $0x80, v2, vm0, $0xb8;
	[tilespmem:$0x18080] =	vst v63  }
0x299: {  	s26 =	simm.s32 $0x6880  }
0x29a: {  	[tilespmem:s26], [sflag:$0x1] =	stream.indirect_vreg.gather [hbm4b:s16+s3], $0x80, v2, vm0, $0xb8;
	[tilespmem:$0x18080] =	vst v63  }
0x29b: {  	s31 =	simm.s32 $0x7080  }
0x29c: {  	[tilespmem:s31], [sflag:$0x1] =	stream.indirect_vreg.gather [hbm4b:s17+s3], $0x80, v2, vm0, $0xb8;
	[tilespmem:$0x18080] =	vst v63  }
0x29d: {  	s21 =	simm.s32 $0x7880  }
0x29e: {  	[tilespmem:s21], [sflag:$0x1] =	stream.indirect_vreg.gather [hbm4b:s18+s3], $0x80, v2, vm0, $0xb8;
	[tilespmem:$0x18080] =	vst v63  }
0x29f: {  	s1 =	rddreg [dreg:$0x8];
	_ =	swait.ge [sflag:s29], $0x8000  }
0x2a0: {  	[sflag:s29] =	ssyncset.done $0x0  }
0x2a1: {  	s22 =	rddreg [dreg:$0x5];
	[sflag:s29] =	ssyncadd.s32 $0xFFFF8000  }
0x2a2: {  	[hbm4b:s22+s3] =	stream.linear.scatter [tilespmem:s20], [sflag:$0x5], $0x8000, $0x38;
	[tilespmem:$0x18080] =	vst v63  }
0x2a3: {  	_ =	swait.ge [sflag:s30], $0x8000  }
0x2a4: {  	[sflag:s30] =	ssyncset.done $0x0  }
0x2a5: {  	s23 =	rddreg [dreg:$0x6];
	[sflag:s30] =	ssyncadd.s32 $0xFFFF8000  }
0x2a6: {  	[hbm4b:s23+s3] =	stream.linear.scatter [tilespmem:s19], [sflag:$0x6], $0x8000, $0x38;
	[tilespmem:$0x18080] =	vst v63  }
0x2a7: {  	_ =	swait.ge [sflag:s28], $0x8000  }
0x2a8: {  	[sflag:s28] =	ssyncset.done $0x0  }
0x2a9: {  	s25 =	simm.s32 $0x5;
	s24 =	rddreg [dreg:$0x7];
	[sflag:s28] =	ssyncadd.s32 $0xFFFF8000  }
0x2aa: {  	[hbm4b:s24+s3] =	stream.linear.scatter [tilespmem:s0], [sflag:$0x4], $0x8000, $0x38;
	[tilespmem:$0x18080] =	vst v63  }
0x2ab: {  	_ =	swait.ge [sflag:s25], $0x8000  }
0x2ac: {  	[sflag:s25] =	ssyncset.done $0x0  }
0x2ad: {  	s26 =	simm.s32 $0x6;
	[sflag:s25] =	ssyncadd.s32 $0xFFFF8000  }
0x2ae: {  	p0 =	sne.s32 s1, $0x1;
	_ =	swait.ge [sflag:s26], $0x8000  }
.Ltmp0:
0x2af: {  	[sflag:s26] =	ssyncset.done $0x0;
	(pc) =	sbr.rel @p0 .LBB2_1-.Ltmp0, $4  }
0x2b0: {  	s31 =	simm.s32 $0x4;
	[sflag:s26] =	ssyncadd.s32 $0xFFFF8000  }
0x2b1: {  	_ =	swait.ge [sflag:s31], $0x8000  }
0x2b2: {  	[sflag:s31] =	ssyncset.done $0x0  }
0x2b3: {  	s1 =	sadd.s32 $0xFFFFFFFF, s1;
	[sflag:s31] =	ssyncadd.s32 $0xFFFF8000  }
0x2b4: {  	_ =	sfence.sel $0x180000  }
0x2b5: {  	[bflag:$0x0] =	sbarrier.arrive $0xFFFF  }
0x2b6: {  	_ =	strace $0x90000047  }
0x2b7: {  	s0 =	stileid.u32;
	[bflag:$0x2] =	sbarrier.arrive $0xFFFF  }
0x2b8: {  	p0 =	sne.s32 s0, $0x0;
	s0 =	rddreg [dreg:$0x3]  }
0x2b9: {  	s0 =	sadd.s32 @!p0 $0x100000, s0  }
0x2ba: {  	[sflag:s0] =	ssyncadd.tile.s32 @!p0 $0x1;
	_ =	shalt  }
.Lfunc_end2:
_tile_overlayer_lowered:
.L_overlay_start_2:
0x2bb: {  	(tag) =	ssettag $0x2  }
0x2bc: {  	s0 =	rddreg [dreg:$0x0];
	s2 =	stileid.u32  }
0x2bd: {  	s1 =	rddreg [dreg:$0x1];
	p0 =	sne.s32 s2, $0x0  }
0x2be: {  	s3 =	rddreg [dreg:$0x2];
	[bflag:$0x3] =	sbarrier.arrive $0xFFFF;
	s2 =	simm.s32 @!p0 $0x1C07  }
0x2bf: {  	[timem:s3], [sflag:s2] =	dma.local @!p0 [hbm:s0], s1  }
0x2c0: {  	s0 =	simm.s32 @!p0 $0x7  }
0x2c1: {  	_ =	swait.ge @!p0 [sflag:s0], s1  }
0x2c2: {  	s1 =	ssub.s32 @!p0 $0x0, s1;
	[sflag:s0] =	ssyncset.done @!p0 $0x0  }
0x2c3: {  	[sflag:s0] =	ssyncadd.s32 @!p0 s1  }
0x2c4: {  	[bflag:$0x3] =	sbarrier.arrive $0xFFFF  }
0x2c5: {  	_ =	shalt  }

</sc_bundles>
